<compile_context>
chip_gen: v7x
topology: tpu7x:2x2x1
jax: 0.10.2.dev20260603
libtpu: 0.0.44.dev20260713+nightly
codegen_flags: <defaults>
</compile_context>

<pallas_src>
import functools

import jax
import jax.numpy as jnp
from jax import lax
from jax.experimental import pallas as pl
from jax.experimental.pallas import tpu as pltpu
from jax.experimental.pallas import tpu_sc as plsc

BATCH = 16384
D = 32
NC = 2
NS = 16
NW = NC * NS
BPW = BATCH // NW
CHUNK = 128
NCHUNK = BPW // CHUNK
L = 16

_mesh = plsc.VectorSubcoreMesh(core_axis_name="c", subcore_axis_name="s")


@functools.partial(
    pl.kernel,
    mesh=_mesh,
    compiler_params=pltpu.CompilerParams(
        needs_layout_passes=False, use_tc_tiling_on_sc=False),
    out_type=jax.ShapeDtypeStruct((BATCH,), jnp.float32),
    scratch_types=[
        pltpu.VMEM((BPW,), jnp.int32),
        pltpu.VMEM((BPW,), jnp.int32),
        pltpu.VMEM((BPW, D), jnp.float32),
        pltpu.VMEM((BPW, D), jnp.float32),
        pltpu.VMEM((BPW,), jnp.float32),
        pltpu.SemaphoreType.DMA,
    ],
)
def _dot_sc(uid_hbm, lid_hbm, utab_hbm, ltab_hbm, out_hbm,
            uidx_v, lidx_v, urows_v, lrows_v, out_v, sem):
    wid = lax.axis_index("s") * NC + lax.axis_index("c")
    base = wid * BPW

    pltpu.sync_copy(uid_hbm.at[pl.ds(base, BPW)], uidx_v)
    pltpu.sync_copy(lid_hbm.at[pl.ds(base, BPW)], lidx_v)

    copies = []
    for j in range(NCHUNK):
        sl = pl.ds(j * CHUNK, CHUNK)
        copies.append(pltpu.async_copy(
            utab_hbm.at[uidx_v.at[sl]], urows_v.at[sl], sem))
        copies.append(pltpu.async_copy(
            ltab_hbm.at[lidx_v.at[sl]], lrows_v.at[sl], sem))
    for cp in copies:
        cp.wait()

    iota = lax.iota(jnp.int32, L)

    def body(g, carry):
        acc = jnp.zeros((L,), jnp.float32)
        for j in range(L):
            r = g * L + j
            u0 = urows_v[r, pl.ds(0, L)]
            u1 = urows_v[r, pl.ds(L, L)]
            l0 = lrows_v[r, pl.ds(0, L)]
            l1 = lrows_v[r, pl.ds(L, L)]
            h = u0 * l0 + u1 * l1
            s = jnp.sum(h)
            acc = acc + jnp.where(iota == j, s, jnp.float32(0.0))
        out_v[pl.ds(g * L, L)] = acc
        return carry

    lax.fori_loop(0, BPW // L, body, 0)

    pltpu.sync_copy(out_v, out_hbm.at[pl.ds(base, BPW)])


def kernel(user_id, lawyer_id, user_table, lawyer_table):
    out = _dot_sc(user_id.astype(jnp.int32), lawyer_id.astype(jnp.int32),
                  user_table, lawyer_table)
    return out.reshape(BATCH, 1)

# --- scband reference (transcript-rebuilt; emitter-appended) ---
"""Pipeline reference for scband-lawyer-matching-model-34720515621271 (READ-ONLY COPY).

The authoritative reference and input builder live on the scoring server;
editing this copy changes nothing except your own understanding.
"""

import jax, jax.numpy as jnp
import numpy as np

NUM_USERS = 1000000
NUM_LAWYERS = 1000000
EMBED_DIM = 32
BATCH = 16384

def setup_inputs(seed: int = 0) -> dict:
    key = jax.random.key(seed)
    k1, k2, k3, k4 = jax.random.split(key, 4)
    user_id = jax.random.randint(k1, (BATCH,), 0, NUM_USERS, dtype=jnp.int64 if jax.config.jax_enable_x64 else jnp.int32)
    lawyer_id = jax.random.randint(k2, (BATCH,), 0, NUM_LAWYERS, dtype=jnp.int64 if jax.config.jax_enable_x64 else jnp.int32)
    # Keras Embedding default init: uniform(-0.05, 0.05)
    user_table = jax.random.uniform(k3, (NUM_USERS, EMBED_DIM), dtype=jnp.float32, minval=-0.05, maxval=0.05)
    lawyer_table = jax.random.uniform(k4, (NUM_LAWYERS, EMBED_DIM), dtype=jnp.float32, minval=-0.05, maxval=0.05)
    return {"user_id": user_id, "lawyer_id": lawyer_id, "user_table": user_table, "lawyer_table": lawyer_table}

def reference(user_id, lawyer_id, user_table, lawyer_table):
    # Embedding lookups (gathers)
    user_emb = jnp.take(user_table, user_id, axis=0)      # [B, D]
    lawyer_emb = jnp.take(lawyer_table, lawyer_id, axis=0)  # [B, D]
    # tf.keras.layers.Dot(axes=1): elementwise product summed over axis 1, keepdims -> [B, 1]
    dot = jnp.sum(user_emb * lawyer_emb, axis=1, keepdims=True)
    return dot

if __name__ == "__main__":
    import jax
    _d = setup_inputs()
    print(jax.jit(kernel)(*tuple(_d.values())))

</pallas_src>

<mosaic_0001>
#map = affine_map<(d0, d1) -> (0)>
#map1 = affine_map<(d0, d1) -> (0, 0)>
module attributes {stable_mosaic.version = 14 : i64} {
  func.func @_dot_sc(%arg0: i32, %arg1: i32, %arg2: memref<16384xi32, #tpu.memory_space<hbm>>, %arg3: memref<16384xi32, #tpu.memory_space<hbm>>, %arg4: memref<1000000x32xf32, #tpu.memory_space<hbm>>, %arg5: memref<1000000x32xf32, #tpu.memory_space<hbm>>, %arg6: memref<16384xf32, #tpu.memory_space<hbm>>, %arg7: memref<512xi32, #tpu.memory_space<vmem>>, %arg8: memref<512xi32, #tpu.memory_space<vmem>>, %arg9: memref<512x32xf32, #tpu.memory_space<vmem>>, %arg10: memref<512x32xf32, #tpu.memory_space<vmem>>, %arg11: memref<512xf32, #tpu.memory_space<vmem>>, %arg12: memref<!tpu.dma_semaphore, #tpu.memory_space<semaphore_mem>>) attributes {dimension_semantics = [#tpu.dimension_semantics<core_parallel>, #tpu.dimension_semantics<subcore_parallel>], iteration_bounds = array<i64: 2, 16>, scalar_prefetch = 0 : i64, scratch_operands = 6 : i64, tpu.core_type = #tpu.core_type<sc_vector_subcore>, window_params = [{transform_indices = #map}, {transform_indices = #map}, {transform_indices = #map1}, {transform_indices = #map1}, {transform_indices = #map}]} {
    %mul3A = arith.constant 2 : i32
    %mul3A_0 = arith.muli %arg1, %mul3A : i32
    %add3A = arith.addi %mul3A_0, %arg0 : i32
    %mul3A_1 = arith.constant 512 : i32
    %mul3A_2 = arith.muli %add3A, %mul3A_1 : i32
    "tpu.region"() ({
      %run_scoped3A = tpu.sem_alloc : memref<!tpu.dma_semaphore, #tpu.memory_space<semaphore_mem>>
      %dma_start3A_134 = tpu.memref_slice %arg2[%mul3A_2] : memref<16384xi32, #tpu.memory_space<hbm>> -> memref<512xi32, #tpu.memory_space<hbm>>
      %dma_start3A_135 = tpu.memref_slice %arg2[%mul3A_2] : memref<16384xi32, #tpu.memory_space<hbm>> -> memref<512xi32, #tpu.memory_space<hbm>>
      tpu.enqueue_dma source(%dma_start3A_135 : memref<512xi32, #tpu.memory_space<hbm>>) target(%arg7 : memref<512xi32, #tpu.memory_space<vmem>>) target_semaphore(%run_scoped3A : memref<!tpu.dma_semaphore, #tpu.memory_space<semaphore_mem>>)
      %dma_wait3A_136 = tpu.memref_slice %arg2[%mul3A_2] : memref<16384xi32, #tpu.memory_space<hbm>> -> memref<512xi32, #tpu.memory_space<hbm>>
      %dma_wait3A_137 = tpu.memref_slice %arg2[%mul3A_2] : memref<16384xi32, #tpu.memory_space<hbm>> -> memref<512xi32, #tpu.memory_space<hbm>>
      tpu.wait_dma2 semaphore(%run_scoped3A : memref<!tpu.dma_semaphore, #tpu.memory_space<semaphore_mem>>) src(%dma_wait3A_137 : memref<512xi32, #tpu.memory_space<hbm>>) dst(%arg7 : memref<512xi32, #tpu.memory_space<vmem>>)
      tpu.yield
    }) : () -> ()
    "tpu.region"() ({
      %run_scoped3A = tpu.sem_alloc : memref<!tpu.dma_semaphore, #tpu.memory_space<semaphore_mem>>
      %dma_start3A_134 = tpu.memref_slice %arg3[%mul3A_2] : memref<16384xi32, #tpu.memory_space<hbm>> -> memref<512xi32, #tpu.memory_space<hbm>>
      %dma_start3A_135 = tpu.memref_slice %arg3[%mul3A_2] : memref<16384xi32, #tpu.memory_space<hbm>> -> memref<512xi32, #tpu.memory_space<hbm>>
      tpu.enqueue_dma source(%dma_start3A_135 : memref<512xi32, #tpu.memory_space<hbm>>) target(%arg8 : memref<512xi32, #tpu.memory_space<vmem>>) target_semaphore(%run_scoped3A : memref<!tpu.dma_semaphore, #tpu.memory_space<semaphore_mem>>)
      %dma_wait3A_136 = tpu.memref_slice %arg3[%mul3A_2] : memref<16384xi32, #tpu.memory_space<hbm>> -> memref<512xi32, #tpu.memory_space<hbm>>
      %dma_wait3A_137 = tpu.memref_slice %arg3[%mul3A_2] : memref<16384xi32, #tpu.memory_space<hbm>> -> memref<512xi32, #tpu.memory_space<hbm>>
      tpu.wait_dma2 semaphore(%run_scoped3A : memref<!tpu.dma_semaphore, #tpu.memory_space<semaphore_mem>>) src(%dma_wait3A_137 : memref<512xi32, #tpu.memory_space<hbm>>) dst(%arg8 : memref<512xi32, #tpu.memory_space<vmem>>)
      tpu.yield
    }) : () -> ()
    %dma_start3A = arith.constant 0 : i32
    %dma_start3A_3 = arith.constant 0 : i32
    %dma_start3A_4 = tpu.memref_slice %arg9[%dma_start3A, %dma_start3A_3] : memref<512x32xf32, #tpu.memory_space<vmem>> -> memref<128x32xf32, #tpu.memory_space<vmem>>
    %dma_start3A_5 = arith.constant 0 : i32
    %dma_start3A_6 = tpu.memref_slice %arg7[%dma_start3A_5] : memref<512xi32, #tpu.memory_space<vmem>> -> memref<128xi32, #tpu.memory_space<vmem>>
    %dma_start3A_7 = arith.constant 0 : i32
    %dma_start3A_8 = arith.constant 0 : i32
    %dma_start3A_9 = tpu.memref_slice %arg4[%dma_start3A_7, %dma_start3A_8] : memref<1000000x32xf32, #tpu.memory_space<hbm>> -> memref<1000000x32xf32, #tpu.memory_space<hbm>>
    tpu.enqueue_indirect_dma source(%dma_start3A_9 : memref<1000000x32xf32, #tpu.memory_space<hbm>>) target(%dma_start3A_4 : memref<128x32xf32, #tpu.memory_space<vmem>>) offsets(%dma_start3A_6 : memref<128xi32, #tpu.memory_space<vmem>>) semaphore(%arg12 : memref<!tpu.dma_semaphore, #tpu.memory_space<semaphore_mem>>)
    %dma_start3A_10 = arith.constant 0 : i32
    %dma_start3A_11 = arith.constant 0 : i32
    %dma_start3A_12 = tpu.memref_slice %arg10[%dma_start3A_10, %dma_start3A_11] : memref<512x32xf32, #tpu.memory_space<vmem>> -> memref<128x32xf32, #tpu.memory_space<vmem>>
    %dma_start3A_13 = arith.constant 0 : i32
    %dma_start3A_14 = tpu.memref_slice %arg8[%dma_start3A_13] : memref<512xi32, #tpu.memory_space<vmem>> -> memref<128xi32, #tpu.memory_space<vmem>>
    %dma_start3A_15 = arith.constant 0 : i32
    %dma_start3A_16 = arith.constant 0 : i32
    %dma_start3A_17 = tpu.memref_slice %arg5[%dma_start3A_15, %dma_start3A_16] : memref<1000000x32xf32, #tpu.memory_space<hbm>> -> memref<1000000x32xf32, #tpu.memory_space<hbm>>
    tpu.enqueue_indirect_dma source(%dma_start3A_17 : memref<1000000x32xf32, #tpu.memory_space<hbm>>) target(%dma_start3A_12 : memref<128x32xf32, #tpu.memory_space<vmem>>) offsets(%dma_start3A_14 : memref<128xi32, #tpu.memory_space<vmem>>) semaphore(%arg12 : memref<!tpu.dma_semaphore, #tpu.memory_space<semaphore_mem>>)
    %dma_start3A_18 = arith.constant 128 : i32
    %dma_start3A_19 = arith.constant 0 : i32
    %dma_start3A_20 = tpu.memref_slice %arg9[%dma_start3A_18, %dma_start3A_19] : memref<512x32xf32, #tpu.memory_space<vmem>> -> memref<128x32xf32, #tpu.memory_space<vmem>>
    %dma_start3A_21 = arith.constant 128 : i32
    %dma_start3A_22 = tpu.memref_slice %arg7[%dma_start3A_21] : memref<512xi32, #tpu.memory_space<vmem>> -> memref<128xi32, #tpu.memory_space<vmem>>
    %dma_start3A_23 = arith.constant 0 : i32
    %dma_start3A_24 = arith.constant 0 : i32
    %dma_start3A_25 = tpu.memref_slice %arg4[%dma_start3A_23, %dma_start3A_24] : memref<1000000x32xf32, #tpu.memory_space<hbm>> -> memref<1000000x32xf32, #tpu.memory_space<hbm>>
    tpu.enqueue_indirect_dma source(%dma_start3A_25 : memref<1000000x32xf32, #tpu.memory_space<hbm>>) target(%dma_start3A_20 : memref<128x32xf32, #tpu.memory_space<vmem>>) offsets(%dma_start3A_22 : memref<128xi32, #tpu.memory_space<vmem>>) semaphore(%arg12 : memref<!tpu.dma_semaphore, #tpu.memory_space<semaphore_mem>>)
    %dma_start3A_26 = arith.constant 128 : i32
    %dma_start3A_27 = arith.constant 0 : i32
    %dma_start3A_28 = tpu.memref_slice %arg10[%dma_start3A_26, %dma_start3A_27] : memref<512x32xf32, #tpu.memory_space<vmem>> -> memref<128x32xf32, #tpu.memory_space<vmem>>
    %dma_start3A_29 = arith.constant 128 : i32
    %dma_start3A_30 = tpu.memref_slice %arg8[%dma_start3A_29] : memref<512xi32, #tpu.memory_space<vmem>> -> memref<128xi32, #tpu.memory_space<vmem>>
    %dma_start3A_31 = arith.constant 0 : i32
    %dma_start3A_32 = arith.constant 0 : i32
    %dma_start3A_33 = tpu.memref_slice %arg5[%dma_start3A_31, %dma_start3A_32] : memref<1000000x32xf32, #tpu.memory_space<hbm>> -> memref<1000000x32xf32, #tpu.memory_space<hbm>>
    tpu.enqueue_indirect_dma source(%dma_start3A_33 : memref<1000000x32xf32, #tpu.memory_space<hbm>>) target(%dma_start3A_28 : memref<128x32xf32, #tpu.memory_space<vmem>>) offsets(%dma_start3A_30 : memref<128xi32, #tpu.memory_space<vmem>>) semaphore(%arg12 : memref<!tpu.dma_semaphore, #tpu.memory_space<semaphore_mem>>)
    %dma_start3A_34 = arith.constant 256 : i32
    %dma_start3A_35 = arith.constant 0 : i32
    %dma_start3A_36 = tpu.memref_slice %arg9[%dma_start3A_34, %dma_start3A_35] : memref<512x32xf32, #tpu.memory_space<vmem>> -> memref<128x32xf32, #tpu.memory_space<vmem>>
    %dma_start3A_37 = arith.constant 256 : i32
    %dma_start3A_38 = tpu.memref_slice %arg7[%dma_start3A_37] : memref<512xi32, #tpu.memory_space<vmem>> -> memref<128xi32, #tpu.memory_space<vmem>>
    %dma_start3A_39 = arith.constant 0 : i32
    %dma_start3A_40 = arith.constant 0 : i32
    %dma_start3A_41 = tpu.memref_slice %arg4[%dma_start3A_39, %dma_start3A_40] : memref<1000000x32xf32, #tpu.memory_space<hbm>> -> memref<1000000x32xf32, #tpu.memory_space<hbm>>
    tpu.enqueue_indirect_dma source(%dma_start3A_41 : memref<1000000x32xf32, #tpu.memory_space<hbm>>) target(%dma_start3A_36 : memref<128x32xf32, #tpu.memory_space<vmem>>) offsets(%dma_start3A_38 : memref<128xi32, #tpu.memory_space<vmem>>) semaphore(%arg12 : memref<!tpu.dma_semaphore, #tpu.memory_space<semaphore_mem>>)
    %dma_start3A_42 = arith.constant 256 : i32
    %dma_start3A_43 = arith.constant 0 : i32
    %dma_start3A_44 = tpu.memref_slice %arg10[%dma_start3A_42, %dma_start3A_43] : memref<512x32xf32, #tpu.memory_space<vmem>> -> memref<128x32xf32, #tpu.memory_space<vmem>>
    %dma_start3A_45 = arith.constant 256 : i32
    %dma_start3A_46 = tpu.memref_slice %arg8[%dma_start3A_45] : memref<512xi32, #tpu.memory_space<vmem>> -> memref<128xi32, #tpu.memory_space<vmem>>
    %dma_start3A_47 = arith.constant 0 : i32
    %dma_start3A_48 = arith.constant 0 : i32
    %dma_start3A_49 = tpu.memref_slice %arg5[%dma_start3A_47, %dma_start3A_48] : memref<1000000x32xf32, #tpu.memory_space<hbm>> -> memref<1000000x32xf32, #tpu.memory_space<hbm>>
    tpu.enqueue_indirect_dma source(%dma_start3A_49 : memref<1000000x32xf32, #tpu.memory_space<hbm>>) target(%dma_start3A_44 : memref<128x32xf32, #tpu.memory_space<vmem>>) offsets(%dma_start3A_46 : memref<128xi32, #tpu.memory_space<vmem>>) semaphore(%arg12 : memref<!tpu.dma_semaphore, #tpu.memory_space<semaphore_mem>>)
    %dma_start3A_50 = arith.constant 384 : i32
    %dma_start3A_51 = arith.constant 0 : i32
    %dma_start3A_52 = tpu.memref_slice %arg9[%dma_start3A_50, %dma_start3A_51] : memref<512x32xf32, #tpu.memory_space<vmem>> -> memref<128x32xf32, #tpu.memory_space<vmem>>
    %dma_start3A_53 = arith.constant 384 : i32
    %dma_start3A_54 = tpu.memref_slice %arg7[%dma_start3A_53] : memref<512xi32, #tpu.memory_space<vmem>> -> memref<128xi32, #tpu.memory_space<vmem>>
    %dma_start3A_55 = arith.constant 0 : i32
    %dma_start3A_56 = arith.constant 0 : i32
    %dma_start3A_57 = tpu.memref_slice %arg4[%dma_start3A_55, %dma_start3A_56] : memref<1000000x32xf32, #tpu.memory_space<hbm>> -> memref<1000000x32xf32, #tpu.memory_space<hbm>>
    tpu.enqueue_indirect_dma source(%dma_start3A_57 : memref<1000000x32xf32, #tpu.memory_space<hbm>>) target(%dma_start3A_52 : memref<128x32xf32, #tpu.memory_space<vmem>>) offsets(%dma_start3A_54 : memref<128xi32, #tpu.memory_space<vmem>>) semaphore(%arg12 : memref<!tpu.dma_semaphore, #tpu.memory_space<semaphore_mem>>)
    %dma_start3A_58 = arith.constant 384 : i32
    %dma_start3A_59 = arith.constant 0 : i32
    %dma_start3A_60 = tpu.memref_slice %arg10[%dma_start3A_58, %dma_start3A_59] : memref<512x32xf32, #tpu.memory_space<vmem>> -> memref<128x32xf32, #tpu.memory_space<vmem>>
    %dma_start3A_61 = arith.constant 384 : i32
    %dma_start3A_62 = tpu.memref_slice %arg8[%dma_start3A_61] : memref<512xi32, #tpu.memory_space<vmem>> -> memref<128xi32, #tpu.memory_space<vmem>>
    %dma_start3A_63 = arith.constant 0 : i32
    %dma_start3A_64 = arith.constant 0 : i32
    %dma_start3A_65 = tpu.memref_slice %arg5[%dma_start3A_63, %dma_start3A_64] : memref<1000000x32xf32, #tpu.memory_space<hbm>> -> memref<1000000x32xf32, #tpu.memory_space<hbm>>
    tpu.enqueue_indirect_dma source(%dma_start3A_65 : memref<1000000x32xf32, #tpu.memory_space<hbm>>) target(%dma_start3A_60 : memref<128x32xf32, #tpu.memory_space<vmem>>) offsets(%dma_start3A_62 : memref<128xi32, #tpu.memory_space<vmem>>) semaphore(%arg12 : memref<!tpu.dma_semaphore, #tpu.memory_space<semaphore_mem>>)
    %dma_wait3A = arith.constant 0 : i32
    %dma_wait3A_66 = arith.constant 0 : i32
    %dma_wait3A_67 = tpu.memref_slice %arg9[%dma_wait3A, %dma_wait3A_66] : memref<512x32xf32, #tpu.memory_space<vmem>> -> memref<128x32xf32, #tpu.memory_space<vmem>>
    %dma_wait3A_68 = arith.constant 0 : i32
    %dma_wait3A_69 = tpu.memref_slice %arg7[%dma_wait3A_68] : memref<512xi32, #tpu.memory_space<vmem>> -> memref<128xi32, #tpu.memory_space<vmem>>
    %dma_wait3A_70 = arith.constant 0 : i32
    %dma_wait3A_71 = arith.constant 0 : i32
    %dma_wait3A_72 = tpu.memref_slice %arg4[%dma_wait3A_70, %dma_wait3A_71] : memref<1000000x32xf32, #tpu.memory_space<hbm>> -> memref<1000000x32xf32, #tpu.memory_space<hbm>>
    tpu.wait_indirect_dma semaphore(%arg12 : memref<!tpu.dma_semaphore, #tpu.memory_space<semaphore_mem>>) src(%dma_wait3A_72 : memref<1000000x32xf32, #tpu.memory_space<hbm>>) dst(%dma_wait3A_67 : memref<128x32xf32, #tpu.memory_space<vmem>>)
    %dma_wait3A_73 = arith.constant 0 : i32
    %dma_wait3A_74 = arith.constant 0 : i32
    %dma_wait3A_75 = tpu.memref_slice %arg10[%dma_wait3A_73, %dma_wait3A_74] : memref<512x32xf32, #tpu.memory_space<vmem>> -> memref<128x32xf32, #tpu.memory_space<vmem>>
    %dma_wait3A_76 = arith.constant 0 : i32
    %dma_wait3A_77 = tpu.memref_slice %arg8[%dma_wait3A_76] : memref<512xi32, #tpu.memory_space<vmem>> -> memref<128xi32, #tpu.memory_space<vmem>>
    %dma_wait3A_78 = arith.constant 0 : i32
    %dma_wait3A_79 = arith.constant 0 : i32
    %dma_wait3A_80 = tpu.memref_slice %arg5[%dma_wait3A_78, %dma_wait3A_79] : memref<1000000x32xf32, #tpu.memory_space<hbm>> -> memref<1000000x32xf32, #tpu.memory_space<hbm>>
    tpu.wait_indirect_dma semaphore(%arg12 : memref<!tpu.dma_semaphore, #tpu.memory_space<semaphore_mem>>) src(%dma_wait3A_80 : memref<1000000x32xf32, #tpu.memory_space<hbm>>) dst(%dma_wait3A_75 : memref<128x32xf32, #tpu.memory_space<vmem>>)
    %dma_wait3A_81 = arith.constant 128 : i32
    %dma_wait3A_82 = arith.constant 0 : i32
    %dma_wait3A_83 = tpu.memref_slice %arg9[%dma_wait3A_81, %dma_wait3A_82] : memref<512x32xf32, #tpu.memory_space<vmem>> -> memref<128x32xf32, #tpu.memory_space<vmem>>
    %dma_wait3A_84 = arith.constant 128 : i32
    %dma_wait3A_85 = tpu.memref_slice %arg7[%dma_wait3A_84] : memref<512xi32, #tpu.memory_space<vmem>> -> memref<128xi32, #tpu.memory_space<vmem>>
    %dma_wait3A_86 = arith.constant 0 : i32
    %dma_wait3A_87 = arith.constant 0 : i32
    %dma_wait3A_88 = tpu.memref_slice %arg4[%dma_wait3A_86, %dma_wait3A_87] : memref<1000000x32xf32, #tpu.memory_space<hbm>> -> memref<1000000x32xf32, #tpu.memory_space<hbm>>
    tpu.wait_indirect_dma semaphore(%arg12 : memref<!tpu.dma_semaphore, #tpu.memory_space<semaphore_mem>>) src(%dma_wait3A_88 : memref<1000000x32xf32, #tpu.memory_space<hbm>>) dst(%dma_wait3A_83 : memref<128x32xf32, #tpu.memory_space<vmem>>)
    %dma_wait3A_89 = arith.constant 128 : i32
    %dma_wait3A_90 = arith.constant 0 : i32
    %dma_wait3A_91 = tpu.memref_slice %arg10[%dma_wait3A_89, %dma_wait3A_90] : memref<512x32xf32, #tpu.memory_space<vmem>> -> memref<128x32xf32, #tpu.memory_space<vmem>>
    %dma_wait3A_92 = arith.constant 128 : i32
    %dma_wait3A_93 = tpu.memref_slice %arg8[%dma_wait3A_92] : memref<512xi32, #tpu.memory_space<vmem>> -> memref<128xi32, #tpu.memory_space<vmem>>
    %dma_wait3A_94 = arith.constant 0 : i32
    %dma_wait3A_95 = arith.constant 0 : i32
    %dma_wait3A_96 = tpu.memref_slice %arg5[%dma_wait3A_94, %dma_wait3A_95] : memref<1000000x32xf32, #tpu.memory_space<hbm>> -> memref<1000000x32xf32, #tpu.memory_space<hbm>>
    tpu.wait_indirect_dma semaphore(%arg12 : memref<!tpu.dma_semaphore, #tpu.memory_space<semaphore_mem>>) src(%dma_wait3A_96 : memref<1000000x32xf32, #tpu.memory_space<hbm>>) dst(%dma_wait3A_91 : memref<128x32xf32, #tpu.memory_space<vmem>>)
    %dma_wait3A_97 = arith.constant 256 : i32
    %dma_wait3A_98 = arith.constant 0 : i32
    %dma_wait3A_99 = tpu.memref_slice %arg9[%dma_wait3A_97, %dma_wait3A_98] : memref<512x32xf32, #tpu.memory_space<vmem>> -> memref<128x32xf32, #tpu.memory_space<vmem>>
    %dma_wait3A_100 = arith.constant 256 : i32
    %dma_wait3A_101 = tpu.memref_slice %arg7[%dma_wait3A_100] : memref<512xi32, #tpu.memory_space<vmem>> -> memref<128xi32, #tpu.memory_space<vmem>>
    %dma_wait3A_102 = arith.constant 0 : i32
    %dma_wait3A_103 = arith.constant 0 : i32
    %dma_wait3A_104 = tpu.memref_slice %arg4[%dma_wait3A_102, %dma_wait3A_103] : memref<1000000x32xf32, #tpu.memory_space<hbm>> -> memref<1000000x32xf32, #tpu.memory_space<hbm>>
    tpu.wait_indirect_dma semaphore(%arg12 : memref<!tpu.dma_semaphore, #tpu.memory_space<semaphore_mem>>) src(%dma_wait3A_104 : memref<1000000x32xf32, #tpu.memory_space<hbm>>) dst(%dma_wait3A_99 : memref<128x32xf32, #tpu.memory_space<vmem>>)
    %dma_wait3A_105 = arith.constant 256 : i32
    %dma_wait3A_106 = arith.constant 0 : i32
    %dma_wait3A_107 = tpu.memref_slice %arg10[%dma_wait3A_105, %dma_wait3A_106] : memref<512x32xf32, #tpu.memory_space<vmem>> -> memref<128x32xf32, #tpu.memory_space<vmem>>
    %dma_wait3A_108 = arith.constant 256 : i32
    %dma_wait3A_109 = tpu.memref_slice %arg8[%dma_wait3A_108] : memref<512xi32, #tpu.memory_space<vmem>> -> memref<128xi32, #tpu.memory_space<vmem>>
    %dma_wait3A_110 = arith.constant 0 : i32
    %dma_wait3A_111 = arith.constant 0 : i32
    %dma_wait3A_112 = tpu.memref_slice %arg5[%dma_wait3A_110, %dma_wait3A_111] : memref<1000000x32xf32, #tpu.memory_space<hbm>> -> memref<1000000x32xf32, #tpu.memory_space<hbm>>
    tpu.wait_indirect_dma semaphore(%arg12 : memref<!tpu.dma_semaphore, #tpu.memory_space<semaphore_mem>>) src(%dma_wait3A_112 : memref<1000000x32xf32, #tpu.memory_space<hbm>>) dst(%dma_wait3A_107 : memref<128x32xf32, #tpu.memory_space<vmem>>)
    %dma_wait3A_113 = arith.constant 384 : i32
    %dma_wait3A_114 = arith.constant 0 : i32
    %dma_wait3A_115 = tpu.memref_slice %arg9[%dma_wait3A_113, %dma_wait3A_114] : memref<512x32xf32, #tpu.memory_space<vmem>> -> memref<128x32xf32, #tpu.memory_space<vmem>>
    %dma_wait3A_116 = arith.constant 384 : i32
    %dma_wait3A_117 = tpu.memref_slice %arg7[%dma_wait3A_116] : memref<512xi32, #tpu.memory_space<vmem>> -> memref<128xi32, #tpu.memory_space<vmem>>
    %dma_wait3A_118 = arith.constant 0 : i32
    %dma_wait3A_119 = arith.constant 0 : i32
    %dma_wait3A_120 = tpu.memref_slice %arg4[%dma_wait3A_118, %dma_wait3A_119] : memref<1000000x32xf32, #tpu.memory_space<hbm>> -> memref<1000000x32xf32, #tpu.memory_space<hbm>>
    tpu.wait_indirect_dma semaphore(%arg12 : memref<!tpu.dma_semaphore, #tpu.memory_space<semaphore_mem>>) src(%dma_wait3A_120 : memref<1000000x32xf32, #tpu.memory_space<hbm>>) dst(%dma_wait3A_115 : memref<128x32xf32, #tpu.memory_space<vmem>>)
    %dma_wait3A_121 = arith.constant 384 : i32
    %dma_wait3A_122 = arith.constant 0 : i32
    %dma_wait3A_123 = tpu.memref_slice %arg10[%dma_wait3A_121, %dma_wait3A_122] : memref<512x32xf32, #tpu.memory_space<vmem>> -> memref<128x32xf32, #tpu.memory_space<vmem>>
    %dma_wait3A_124 = arith.constant 384 : i32
    %dma_wait3A_125 = tpu.memref_slice %arg8[%dma_wait3A_124] : memref<512xi32, #tpu.memory_space<vmem>> -> memref<128xi32, #tpu.memory_space<vmem>>
    %dma_wait3A_126 = arith.constant 0 : i32
    %dma_wait3A_127 = arith.constant 0 : i32
    %dma_wait3A_128 = tpu.memref_slice %arg5[%dma_wait3A_126, %dma_wait3A_127] : memref<1000000x32xf32, #tpu.memory_space<hbm>> -> memref<1000000x32xf32, #tpu.memory_space<hbm>>
    tpu.wait_indirect_dma semaphore(%arg12 : memref<!tpu.dma_semaphore, #tpu.memory_space<semaphore_mem>>) src(%dma_wait3A_128 : memref<1000000x32xf32, #tpu.memory_space<hbm>>) dst(%dma_wait3A_123 : memref<128x32xf32, #tpu.memory_space<vmem>>)
    %iota3A = tpu.iota {dimensions = array<i32: 0>} : vector<16xi32>
    %scan3A = arith.constant 0 : i32
    %scan3A_129 = arith.constant 0 : i32
    %scan3A_130 = arith.constant 32 : i32
    %scan3A_131 = arith.addi %scan3A_129, %scan3A_130 : i32
    %scan3A_132 = arith.constant 1 : i32
    scf.for %scan3A_134 = %scan3A_129 to %scan3A_131 step %scan3A_132  : i32 {
      %broadcast_in_dim3A = arith.constant 0.000000e+00 : f32
      %broadcast_in_dim3A_135 = vector.broadcast %broadcast_in_dim3A : f32 to vector<16xf32>
      %mul3A_136 = arith.constant 16 : i32
      %mul3A_137 = arith.muli %scan3A_134, %mul3A_136 : i32
      %add3A_138 = arith.constant 0 : i32
      %add3A_139 = arith.addi %mul3A_137, %add3A_138 : i32
      %get3A = arith.index_cast %add3A_139 : i32 to index
      %get3A_140 = arith.constant 0 : index
      %get3A_141 = tpu.vector_load %arg9[%get3A, %get3A_140] {strides = array<i32>} : memref<512x32xf32, #tpu.memory_space<vmem>>, vector<16xf32>,
      %get3A_142 = arith.index_cast %add3A_139 : i32 to index
      %get3A_143 = arith.constant 16 : index
      %get3A_144 = tpu.vector_load %arg9[%get3A_142, %get3A_143] {strides = array<i32>} : memref<512x32xf32, #tpu.memory_space<vmem>>, vector<16xf32>,
      %get3A_145 = arith.index_cast %add3A_139 : i32 to index
      %get3A_146 = arith.constant 0 : index
      %get3A_147 = tpu.vector_load %arg10[%get3A_145, %get3A_146] {strides = array<i32>} : memref<512x32xf32, #tpu.memory_space<vmem>>, vector<16xf32>,
      %get3A_148 = arith.index_cast %add3A_139 : i32 to index
      %get3A_149 = arith.constant 16 : index
      %get3A_150 = tpu.vector_load %arg10[%get3A_148, %get3A_149] {strides = array<i32>} : memref<512x32xf32, #tpu.memory_space<vmem>>, vector<16xf32>,
      %mul3A_151 = arith.mulf %get3A_141, %get3A_147 : vector<16xf32>
      %mul3A_152 = arith.mulf %get3A_144, %get3A_150 : vector<16xf32>
      %add3A_153 = arith.addf %mul3A_151, %mul3A_152 : vector<16xf32>
      %reduce_sum3A = arith.constant true
      %reduce_sum3A_154 = vector.broadcast %reduce_sum3A : i1 to vector<16xi1>
      %reduce_sum3A_155 = tpu.scan <sum>, %add3A_153 masked %reduce_sum3A_154 : vector<16xf32>, vector<16xi1> -> vector<16xf32>
      %reduce_sum3A_156 = vector.extract %reduce_sum3A_155[15] : f32 from vector<16xf32>
      %eq3A = arith.constant 0 : i32
      %eq3A_157 = vector.broadcast %eq3A : i32 to vector<16xi32>
      %eq3A_158 = arith.cmpi eq, %iota3A, %eq3A_157 : vector<16xi32>
      %jit3A = arith.constant 0.000000e+00 : f32
      %broadcast_in_dim3A_159 = vector.broadcast %reduce_sum3A_156 : f32 to vector<16xf32>
      %broadcast_in_dim3A_160 = vector.broadcast %jit3A : f32 to vector<16xf32>
      %select_n3A = arith.select %eq3A_158, %broadcast_in_dim3A_159, %broadcast_in_dim3A_160 : vector<16xi1>, vector<16xf32>
      %add3A_161 = arith.addf %broadcast_in_dim3A_135, %select_n3A : vector<16xf32>
      %mul3A_162 = arith.constant 16 : i32
      %mul3A_163 = arith.muli %scan3A_134, %mul3A_162 : i32
      %add3A_164 = arith.constant 1 : i32
      %add3A_165 = arith.addi %mul3A_163, %add3A_164 : i32
      %get3A_166 = arith.index_cast %add3A_165 : i32 to index
      %get3A_167 = arith.constant 0 : index
      %get3A_168 = tpu.vector_load %arg9[%get3A_166, %get3A_167] {strides = array<i32>} : memref<512x32xf32, #tpu.memory_space<vmem>>, vector<16xf32>,
      %get3A_169 = arith.index_cast %add3A_165 : i32 to index
      %get3A_170 = arith.constant 16 : index
      %get3A_171 = tpu.vector_load %arg9[%get3A_169, %get3A_170] {strides = array<i32>} : memref<512x32xf32, #tpu.memory_space<vmem>>, vector<16xf32>,
      %get3A_172 = arith.index_cast %add3A_165 : i32 to index
      %get3A_173 = arith.constant 0 : index
      %get3A_174 = tpu.vector_load %arg10[%get3A_172, %get3A_173] {strides = array<i32>} : memref<512x32xf32, #tpu.memory_space<vmem>>, vector<16xf32>,
      %get3A_175 = arith.index_cast %add3A_165 : i32 to index
      %get3A_176 = arith.constant 16 : index
      %get3A_177 = tpu.vector_load %arg10[%get3A_175, %get3A_176] {strides = array<i32>} : memref<512x32xf32, #tpu.memory_space<vmem>>, vector<16xf32>,
      %mul3A_178 = arith.mulf %get3A_168, %get3A_174 : vector<16xf32>
      %mul3A_179 = arith.mulf %get3A_171, %get3A_177 : vector<16xf32>
      %add3A_180 = arith.addf %mul3A_178, %mul3A_179 : vector<16xf32>
      %reduce_sum3A_181 = arith.constant true
      %reduce_sum3A_182 = vector.broadcast %reduce_sum3A_181 : i1 to vector<16xi1>
      %reduce_sum3A_183 = tpu.scan <sum>, %add3A_180 masked %reduce_sum3A_182 : vector<16xf32>, vector<16xi1> -> vector<16xf32>
      %reduce_sum3A_184 = vector.extract %reduce_sum3A_183[15] : f32 from vector<16xf32>
      %eq3A_185 = arith.constant 1 : i32
      %eq3A_186 = vector.broadcast %eq3A_185 : i32 to vector<16xi32>
      %eq3A_187 = arith.cmpi eq, %iota3A, %eq3A_186 : vector<16xi32>
      %jit3A_188 = arith.constant 0.000000e+00 : f32
      %broadcast_in_dim3A_189 = vector.broadcast %reduce_sum3A_184 : f32 to vector<16xf32>
      %broadcast_in_dim3A_190 = vector.broadcast %jit3A_188 : f32 to vector<16xf32>
      %select_n3A_191 = arith.select %eq3A_187, %broadcast_in_dim3A_189, %broadcast_in_dim3A_190 : vector<16xi1>, vector<16xf32>
      %add3A_192 = arith.addf %add3A_161, %select_n3A_191 : vector<16xf32>
      %mul3A_193 = arith.constant 16 : i32
      %mul3A_194 = arith.muli %scan3A_134, %mul3A_193 : i32
      %add3A_195 = arith.constant 2 : i32
      %add3A_196 = arith.addi %mul3A_194, %add3A_195 : i32
      %get3A_197 = arith.index_cast %add3A_196 : i32 to index
      %get3A_198 = arith.constant 0 : index
      %get3A_199 = tpu.vector_load %arg9[%get3A_197, %get3A_198] {strides = array<i32>} : memref<512x32xf32, #tpu.memory_space<vmem>>, vector<16xf32>,
      %get3A_200 = arith.index_cast %add3A_196 : i32 to index
      %get3A_201 = arith.constant 16 : index
      %get3A_202 = tpu.vector_load %arg9[%get3A_200, %get3A_201] {strides = array<i32>} : memref<512x32xf32, #tpu.memory_space<vmem>>, vector<16xf32>,
      %get3A_203 = arith.index_cast %add3A_196 : i32 to index
      %get3A_204 = arith.constant 0 : index
      %get3A_205 = tpu.vector_load %arg10[%get3A_203, %get3A_204] {strides = array<i32>} : memref<512x32xf32, #tpu.memory_space<vmem>>, vector<16xf32>,
      %get3A_206 = arith.index_cast %add3A_196 : i32 to index
      %get3A_207 = arith.constant 16 : index
      %get3A_208 = tpu.vector_load %arg10[%get3A_206, %get3A_207] {strides = array<i32>} : memref<512x32xf32, #tpu.memory_space<vmem>>, vector<16xf32>,
      %mul3A_209 = arith.mulf %get3A_199, %get3A_205 : vector<16xf32>
      %mul3A_210 = arith.mulf %get3A_202, %get3A_208 : vector<16xf32>
      %add3A_211 = arith.addf %mul3A_209, %mul3A_210 : vector<16xf32>
      %reduce_sum3A_212 = arith.constant true
      %reduce_sum3A_213 = vector.broadcast %reduce_sum3A_212 : i1 to vector<16xi1>
      %reduce_sum3A_214 = tpu.scan <sum>, %add3A_211 masked %reduce_sum3A_213 : vector<16xf32>, vector<16xi1> -> vector<16xf32>
      %reduce_sum3A_215 = vector.extract %reduce_sum3A_214[15] : f32 from vector<16xf32>
      %eq3A_216 = arith.constant 2 : i32
      %eq3A_217 = vector.broadcast %eq3A_216 : i32 to vector<16xi32>
      %eq3A_218 = arith.cmpi eq, %iota3A, %eq3A_217 : vector<16xi32>
      %jit3A_219 = arith.constant 0.000000e+00 : f32
      %broadcast_in_dim3A_220 = vector.broadcast %reduce_sum3A_215 : f32 to vector<16xf32>
      %broadcast_in_dim3A_221 = vector.broadcast %jit3A_219 : f32 to vector<16xf32>
      %select_n3A_222 = arith.select %eq3A_218, %broadcast_in_dim3A_220, %broadcast_in_dim3A_221 : vector<16xi1>, vector<16xf32>
      %add3A_223 = arith.addf %add3A_192, %select_n3A_222 : vector<16xf32>
      %mul3A_224 = arith.constant 16 : i32
      %mul3A_225 = arith.muli %scan3A_134, %mul3A_224 : i32
      %add3A_226 = arith.constant 3 : i32
      %add3A_227 = arith.addi %mul3A_225, %add3A_226 : i32
      %get3A_228 = arith.index_cast %add3A_227 : i32 to index
      %get3A_229 = arith.constant 0 : index
      %get3A_230 = tpu.vector_load %arg9[%get3A_228, %get3A_229] {strides = array<i32>} : memref<512x32xf32, #tpu.memory_space<vmem>>, vector<16xf32>,
      %get3A_231 = arith.index_cast %add3A_227 : i32 to index
      %get3A_232 = arith.constant 16 : index
      %get3A_233 = tpu.vector_load %arg9[%get3A_231, %get3A_232] {strides = array<i32>} : memref<512x32xf32, #tpu.memory_space<vmem>>, vector<16xf32>,
      %get3A_234 = arith.index_cast %add3A_227 : i32 to index
      %get3A_235 = arith.constant 0 : index
      %get3A_236 = tpu.vector_load %arg10[%get3A_234, %get3A_235] {strides = array<i32>} : memref<512x32xf32, #tpu.memory_space<vmem>>, vector<16xf32>,
      %get3A_237 = arith.index_cast %add3A_227 : i32 to index
      %get3A_238 = arith.constant 16 : index
      %get3A_239 = tpu.vector_load %arg10[%get3A_237, %get3A_238] {strides = array<i32>} : memref<512x32xf32, #tpu.memory_space<vmem>>, vector<16xf32>,
      %mul3A_240 = arith.mulf %get3A_230, %get3A_236 : vector<16xf32>
      %mul3A_241 = arith.mulf %get3A_233, %get3A_239 : vector<16xf32>
      %add3A_242 = arith.addf %mul3A_240, %mul3A_241 : vector<16xf32>
      %reduce_sum3A_243 = arith.constant true
      %reduce_sum3A_244 = vector.broadcast %reduce_sum3A_243 : i1 to vector<16xi1>
      %reduce_sum3A_245 = tpu.scan <sum>, %add3A_242 masked %reduce_sum3A_244 : vector<16xf32>, vector<16xi1> -> vector<16xf32>
      %reduce_sum3A_246 = vector.extract %reduce_sum3A_245[15] : f32 from vector<16xf32>
      %eq3A_247 = arith.constant 3 : i32
      %eq3A_248 = vector.broadcast %eq3A_247 : i32 to vector<16xi32>
      %eq3A_249 = arith.cmpi eq, %iota3A, %eq3A_248 : vector<16xi32>
      %jit3A_250 = arith.constant 0.000000e+00 : f32
      %broadcast_in_dim3A_251 = vector.broadcast %reduce_sum3A_246 : f32 to vector<16xf32>
      %broadcast_in_dim3A_252 = vector.broadcast %jit3A_250 : f32 to vector<16xf32>
      %select_n3A_253 = arith.select %eq3A_249, %broadcast_in_dim3A_251, %broadcast_in_dim3A_252 : vector<16xi1>, vector<16xf32>
      %add3A_254 = arith.addf %add3A_223, %select_n3A_253 : vector<16xf32>
      %mul3A_255 = arith.constant 16 : i32
      %mul3A_256 = arith.muli %scan3A_134, %mul3A_255 : i32
      %add3A_257 = arith.constant 4 : i32
      %add3A_258 = arith.addi %mul3A_256, %add3A_257 : i32
      %get3A_259 = arith.index_cast %add3A_258 : i32 to index
      %get3A_260 = arith.constant 0 : index
      %get3A_261 = tpu.vector_load %arg9[%get3A_259, %get3A_260] {strides = array<i32>} : memref<512x32xf32, #tpu.memory_space<vmem>>, vector<16xf32>,
      %get3A_262 = arith.index_cast %add3A_258 : i32 to index
      %get3A_263 = arith.constant 16 : index
      %get3A_264 = tpu.vector_load %arg9[%get3A_262, %get3A_263] {strides = array<i32>} : memref<512x32xf32, #tpu.memory_space<vmem>>, vector<16xf32>,
      %get3A_265 = arith.index_cast %add3A_258 : i32 to index
      %get3A_266 = arith.constant 0 : index
      %get3A_267 = tpu.vector_load %arg10[%get3A_265, %get3A_266] {strides = array<i32>} : memref<512x32xf32, #tpu.memory_space<vmem>>, vector<16xf32>,
      %get3A_268 = arith.index_cast %add3A_258 : i32 to index
      %get3A_269 = arith.constant 16 : index
      %get3A_270 = tpu.vector_load %arg10[%get3A_268, %get3A_269] {strides = array<i32>} : memref<512x32xf32, #tpu.memory_space<vmem>>, vector<16xf32>,
      %mul3A_271 = arith.mulf %get3A_261, %get3A_267 : vector<16xf32>
      %mul3A_272 = arith.mulf %get3A_264, %get3A_270 : vector<16xf32>
      %add3A_273 = arith.addf %mul3A_271, %mul3A_272 : vector<16xf32>
      %reduce_sum3A_274 = arith.constant true
      %reduce_sum3A_275 = vector.broadcast %reduce_sum3A_274 : i1 to vector<16xi1>
      %reduce_sum3A_276 = tpu.scan <sum>, %add3A_273 masked %reduce_sum3A_275 : vector<16xf32>, vector<16xi1> -> vector<16xf32>
      %reduce_sum3A_277 = vector.extract %reduce_sum3A_276[15] : f32 from vector<16xf32>
      %eq3A_278 = arith.constant 4 : i32
      %eq3A_279 = vector.broadcast %eq3A_278 : i32 to vector<16xi32>
      %eq3A_280 = arith.cmpi eq, %iota3A, %eq3A_279 : vector<16xi32>
      %jit3A_281 = arith.constant 0.000000e+00 : f32
      %broadcast_in_dim3A_282 = vector.broadcast %reduce_sum3A_277 : f32 to vector<16xf32>
      %broadcast_in_dim3A_283 = vector.broadcast %jit3A_281 : f32 to vector<16xf32>
      %select_n3A_284 = arith.select %eq3A_280, %broadcast_in_dim3A_282, %broadcast_in_dim3A_283 : vector<16xi1>, vector<16xf32>
      %add3A_285 = arith.addf %add3A_254, %select_n3A_284 : vector<16xf32>
      %mul3A_286 = arith.constant 16 : i32
      %mul3A_287 = arith.muli %scan3A_134, %mul3A_286 : i32
      %add3A_288 = arith.constant 5 : i32
      %add3A_289 = arith.addi %mul3A_287, %add3A_288 : i32
      %get3A_290 = arith.index_cast %add3A_289 : i32 to index
      %get3A_291 = arith.constant 0 : index
      %get3A_292 = tpu.vector_load %arg9[%get3A_290, %get3A_291] {strides = array<i32>} : memref<512x32xf32, #tpu.memory_space<vmem>>, vector<16xf32>,
      %get3A_293 = arith.index_cast %add3A_289 : i32 to index
      %get3A_294 = arith.constant 16 : index
      %get3A_295 = tpu.vector_load %arg9[%get3A_293, %get3A_294] {strides = array<i32>} : memref<512x32xf32, #tpu.memory_space<vmem>>, vector<16xf32>,
      %get3A_296 = arith.index_cast %add3A_289 : i32 to index
      %get3A_297 = arith.constant 0 : index
      %get3A_298 = tpu.vector_load %arg10[%get3A_296, %get3A_297] {strides = array<i32>} : memref<512x32xf32, #tpu.memory_space<vmem>>, vector<16xf32>,
      %get3A_299 = arith.index_cast %add3A_289 : i32 to index
      %get3A_300 = arith.constant 16 : index
      %get3A_301 = tpu.vector_load %arg10[%get3A_299, %get3A_300] {strides = array<i32>} : memref<512x32xf32, #tpu.memory_space<vmem>>, vector<16xf32>,
      %mul3A_302 = arith.mulf %get3A_292, %get3A_298 : vector<16xf32>
      %mul3A_303 = arith.mulf %get3A_295, %get3A_301 : vector<16xf32>
      %add3A_304 = arith.addf %mul3A_302, %mul3A_303 : vector<16xf32>
      %reduce_sum3A_305 = arith.constant true
      %reduce_sum3A_306 = vector.broadcast %reduce_sum3A_305 : i1 to vector<16xi1>
      %reduce_sum3A_307 = tpu.scan <sum>, %add3A_304 masked %reduce_sum3A_306 : vector<16xf32>, vector<16xi1> -> vector<16xf32>
      %reduce_sum3A_308 = vector.extract %reduce_sum3A_307[15] : f32 from vector<16xf32>
      %eq3A_309 = arith.constant 5 : i32
      %eq3A_310 = vector.broadcast %eq3A_309 : i32 to vector<16xi32>
      %eq3A_311 = arith.cmpi eq, %iota3A, %eq3A_310 : vector<16xi32>
      %jit3A_312 = arith.constant 0.000000e+00 : f32
      %broadcast_in_dim3A_313 = vector.broadcast %reduce_sum3A_308 : f32 to vector<16xf32>
      %broadcast_in_dim3A_314 = vector.broadcast %jit3A_312 : f32 to vector<16xf32>
      %select_n3A_315 = arith.select %eq3A_311, %broadcast_in_dim3A_313, %broadcast_in_dim3A_314 : vector<16xi1>, vector<16xf32>
      %add3A_316 = arith.addf %add3A_285, %select_n3A_315 : vector<16xf32>
      %mul3A_317 = arith.constant 16 : i32
      %mul3A_318 = arith.muli %scan3A_134, %mul3A_317 : i32
      %add3A_319 = arith.constant 6 : i32
      %add3A_320 = arith.addi %mul3A_318, %add3A_319 : i32
      %get3A_321 = arith.index_cast %add3A_320 : i32 to index
      %get3A_322 = arith.constant 0 : index
      %get3A_323 = tpu.vector_load %arg9[%get3A_321, %get3A_322] {strides = array<i32>} : memref<512x32xf32, #tpu.memory_space<vmem>>, vector<16xf32>,
      %get3A_324 = arith.index_cast %add3A_320 : i32 to index
      %get3A_325 = arith.constant 16 : index
      %get3A_326 = tpu.vector_load %arg9[%get3A_324, %get3A_325] {strides = array<i32>} : memref<512x32xf32, #tpu.memory_space<vmem>>, vector<16xf32>,
      %get3A_327 = arith.index_cast %add3A_320 : i32 to index
      %get3A_328 = arith.constant 0 : index
      %get3A_329 = tpu.vector_load %arg10[%get3A_327, %get3A_328] {strides = array<i32>} : memref<512x32xf32, #tpu.memory_space<vmem>>, vector<16xf32>,
      %get3A_330 = arith.index_cast %add3A_320 : i32 to index
      %get3A_331 = arith.constant 16 : index
      %get3A_332 = tpu.vector_load %arg10[%get3A_330, %get3A_331] {strides = array<i32>} : memref<512x32xf32, #tpu.memory_space<vmem>>, vector<16xf32>,
      %mul3A_333 = arith.mulf %get3A_323, %get3A_329 : vector<16xf32>
      %mul3A_334 = arith.mulf %get3A_326, %get3A_332 : vector<16xf32>
      %add3A_335 = arith.addf %mul3A_333, %mul3A_334 : vector<16xf32>
      %reduce_sum3A_336 = arith.constant true
      %reduce_sum3A_337 = vector.broadcast %reduce_sum3A_336 : i1 to vector<16xi1>
      %reduce_sum3A_338 = tpu.scan <sum>, %add3A_335 masked %reduce_sum3A_337 : vector<16xf32>, vector<16xi1> -> vector<16xf32>
      %reduce_sum3A_339 = vector.extract %reduce_sum3A_338[15] : f32 from vector<16xf32>
      %eq3A_340 = arith.constant 6 : i32
      %eq3A_341 = vector.broadcast %eq3A_340 : i32 to vector<16xi32>
      %eq3A_342 = arith.cmpi eq, %iota3A, %eq3A_341 : vector<16xi32>
      %jit3A_343 = arith.constant 0.000000e+00 : f32
      %broadcast_in_dim3A_344 = vector.broadcast %reduce_sum3A_339 : f32 to vector<16xf32>
      %broadcast_in_dim3A_345 = vector.broadcast %jit3A_343 : f32 to vector<16xf32>
      %select_n3A_346 = arith.select %eq3A_342, %broadcast_in_dim3A_344, %broadcast_in_dim3A_345 : vector<16xi1>, vector<16xf32>
      %add3A_347 = arith.addf %add3A_316, %select_n3A_346 : vector<16xf32>
      %mul3A_348 = arith.constant 16 : i32
      %mul3A_349 = arith.muli %scan3A_134, %mul3A_348 : i32
      %add3A_350 = arith.constant 7 : i32
      %add3A_351 = arith.addi %mul3A_349, %add3A_350 : i32
      %get3A_352 = arith.index_cast %add3A_351 : i32 to index
      %get3A_353 = arith.constant 0 : index
      %get3A_354 = tpu.vector_load %arg9[%get3A_352, %get3A_353] {strides = array<i32>} : memref<512x32xf32, #tpu.memory_space<vmem>>, vector<16xf32>,
      %get3A_355 = arith.index_cast %add3A_351 : i32 to index
      %get3A_356 = arith.constant 16 : index
      %get3A_357 = tpu.vector_load %arg9[%get3A_355, %get3A_356] {strides = array<i32>} : memref<512x32xf32, #tpu.memory_space<vmem>>, vector<16xf32>,
      %get3A_358 = arith.index_cast %add3A_351 : i32 to index
      %get3A_359 = arith.constant 0 : index
      %get3A_360 = tpu.vector_load %arg10[%get3A_358, %get3A_359] {strides = array<i32>} : memref<512x32xf32, #tpu.memory_space<vmem>>, vector<16xf32>,
      %get3A_361 = arith.index_cast %add3A_351 : i32 to index
      %get3A_362 = arith.constant 16 : index
      %get3A_363 = tpu.vector_load %arg10[%get3A_361, %get3A_362] {strides = array<i32>} : memref<512x32xf32, #tpu.memory_space<vmem>>, vector<16xf32>,
      %mul3A_364 = arith.mulf %get3A_354, %get3A_360 : vector<16xf32>
      %mul3A_365 = arith.mulf %get3A_357, %get3A_363 : vector<16xf32>
      %add3A_366 = arith.addf %mul3A_364, %mul3A_365 : vector<16xf32>
      %reduce_sum3A_367 = arith.constant true
      %reduce_sum3A_368 = vector.broadcast %reduce_sum3A_367 : i1 to vector<16xi1>
      %reduce_sum3A_369 = tpu.scan <sum>, %add3A_366 masked %reduce_sum3A_368 : vector<16xf32>, vector<16xi1> -> vector<16xf32>
      %reduce_sum3A_370 = vector.extract %reduce_sum3A_369[15] : f32 from vector<16xf32>
      %eq3A_371 = arith.constant 7 : i32
      %eq3A_372 = vector.broadcast %eq3A_371 : i32 to vector<16xi32>
      %eq3A_373 = arith.cmpi eq, %iota3A, %eq3A_372 : vector<16xi32>
      %jit3A_374 = arith.constant 0.000000e+00 : f32
      %broadcast_in_dim3A_375 = vector.broadcast %reduce_sum3A_370 : f32 to vector<16xf32>
      %broadcast_in_dim3A_376 = vector.broadcast %jit3A_374 : f32 to vector<16xf32>
      %select_n3A_377 = arith.select %eq3A_373, %broadcast_in_dim3A_375, %broadcast_in_dim3A_376 : vector<16xi1>, vector<16xf32>
      %add3A_378 = arith.addf %add3A_347, %select_n3A_377 : vector<16xf32>
      %mul3A_379 = arith.constant 16 : i32
      %mul3A_380 = arith.muli %scan3A_134, %mul3A_379 : i32
      %add3A_381 = arith.constant 8 : i32
      %add3A_382 = arith.addi %mul3A_380, %add3A_381 : i32
      %get3A_383 = arith.index_cast %add3A_382 : i32 to index
      %get3A_384 = arith.constant 0 : index
      %get3A_385 = tpu.vector_load %arg9[%get3A_383, %get3A_384] {strides = array<i32>} : memref<512x32xf32, #tpu.memory_space<vmem>>, vector<16xf32>,
      %get3A_386 = arith.index_cast %add3A_382 : i32 to index
      %get3A_387 = arith.constant 16 : index
      %get3A_388 = tpu.vector_load %arg9[%get3A_386, %get3A_387] {strides = array<i32>} : memref<512x32xf32, #tpu.memory_space<vmem>>, vector<16xf32>,
      %get3A_389 = arith.index_cast %add3A_382 : i32 to index
      %get3A_390 = arith.constant 0 : index
      %get3A_391 = tpu.vector_load %arg10[%get3A_389, %get3A_390] {strides = array<i32>} : memref<512x32xf32, #tpu.memory_space<vmem>>, vector<16xf32>,
      %get3A_392 = arith.index_cast %add3A_382 : i32 to index
      %get3A_393 = arith.constant 16 : index
      %get3A_394 = tpu.vector_load %arg10[%get3A_392, %get3A_393] {strides = array<i32>} : memref<512x32xf32, #tpu.memory_space<vmem>>, vector<16xf32>,
      %mul3A_395 = arith.mulf %get3A_385, %get3A_391 : vector<16xf32>
      %mul3A_396 = arith.mulf %get3A_388, %get3A_394 : vector<16xf32>
      %add3A_397 = arith.addf %mul3A_395, %mul3A_396 : vector<16xf32>
      %reduce_sum3A_398 = arith.constant true
      %reduce_sum3A_399 = vector.broadcast %reduce_sum3A_398 : i1 to vector<16xi1>
      %reduce_sum3A_400 = tpu.scan <sum>, %add3A_397 masked %reduce_sum3A_399 : vector<16xf32>, vector<16xi1> -> vector<16xf32>
      %reduce_sum3A_401 = vector.extract %reduce_sum3A_400[15] : f32 from vector<16xf32>
      %eq3A_402 = arith.constant 8 : i32
      %eq3A_403 = vector.broadcast %eq3A_402 : i32 to vector<16xi32>
      %eq3A_404 = arith.cmpi eq, %iota3A, %eq3A_403 : vector<16xi32>
      %jit3A_405 = arith.constant 0.000000e+00 : f32
      %broadcast_in_dim3A_406 = vector.broadcast %reduce_sum3A_401 : f32 to vector<16xf32>
      %broadcast_in_dim3A_407 = vector.broadcast %jit3A_405 : f32 to vector<16xf32>
      %select_n3A_408 = arith.select %eq3A_404, %broadcast_in_dim3A_406, %broadcast_in_dim3A_407 : vector<16xi1>, vector<16xf32>
      %add3A_409 = arith.addf %add3A_378, %select_n3A_408 : vector<16xf32>
      %mul3A_410 = arith.constant 16 : i32
      %mul3A_411 = arith.muli %scan3A_134, %mul3A_410 : i32
      %add3A_412 = arith.constant 9 : i32
      %add3A_413 = arith.addi %mul3A_411, %add3A_412 : i32
      %get3A_414 = arith.index_cast %add3A_413 : i32 to index
      %get3A_415 = arith.constant 0 : index
      %get3A_416 = tpu.vector_load %arg9[%get3A_414, %get3A_415] {strides = array<i32>} : memref<512x32xf32, #tpu.memory_space<vmem>>, vector<16xf32>,
      %get3A_417 = arith.index_cast %add3A_413 : i32 to index
      %get3A_418 = arith.constant 16 : index
      %get3A_419 = tpu.vector_load %arg9[%get3A_417, %get3A_418] {strides = array<i32>} : memref<512x32xf32, #tpu.memory_space<vmem>>, vector<16xf32>,
      %get3A_420 = arith.index_cast %add3A_413 : i32 to index
      %get3A_421 = arith.constant 0 : index
      %get3A_422 = tpu.vector_load %arg10[%get3A_420, %get3A_421] {strides = array<i32>} : memref<512x32xf32, #tpu.memory_space<vmem>>, vector<16xf32>,
      %get3A_423 = arith.index_cast %add3A_413 : i32 to index
      %get3A_424 = arith.constant 16 : index
      %get3A_425 = tpu.vector_load %arg10[%get3A_423, %get3A_424] {strides = array<i32>} : memref<512x32xf32, #tpu.memory_space<vmem>>, vector<16xf32>,
      %mul3A_426 = arith.mulf %get3A_416, %get3A_422 : vector<16xf32>
      %mul3A_427 = arith.mulf %get3A_419, %get3A_425 : vector<16xf32>
      %add3A_428 = arith.addf %mul3A_426, %mul3A_427 : vector<16xf32>
      %reduce_sum3A_429 = arith.constant true
      %reduce_sum3A_430 = vector.broadcast %reduce_sum3A_429 : i1 to vector<16xi1>
      %reduce_sum3A_431 = tpu.scan <sum>, %add3A_428 masked %reduce_sum3A_430 : vector<16xf32>, vector<16xi1> -> vector<16xf32>
      %reduce_sum3A_432 = vector.extract %reduce_sum3A_431[15] : f32 from vector<16xf32>
      %eq3A_433 = arith.constant 9 : i32
      %eq3A_434 = vector.broadcast %eq3A_433 : i32 to vector<16xi32>
      %eq3A_435 = arith.cmpi eq, %iota3A, %eq3A_434 : vector<16xi32>
      %jit3A_436 = arith.constant 0.000000e+00 : f32
      %broadcast_in_dim3A_437 = vector.broadcast %reduce_sum3A_432 : f32 to vector<16xf32>
      %broadcast_in_dim3A_438 = vector.broadcast %jit3A_436 : f32 to vector<16xf32>
      %select_n3A_439 = arith.select %eq3A_435, %broadcast_in_dim3A_437, %broadcast_in_dim3A_438 : vector<16xi1>, vector<16xf32>
      %add3A_440 = arith.addf %add3A_409, %select_n3A_439 : vector<16xf32>
      %mul3A_441 = arith.constant 16 : i32
      %mul3A_442 = arith.muli %scan3A_134, %mul3A_441 : i32
      %add3A_443 = arith.constant 10 : i32
      %add3A_444 = arith.addi %mul3A_442, %add3A_443 : i32
      %get3A_445 = arith.index_cast %add3A_444 : i32 to index
      %get3A_446 = arith.constant 0 : index
      %get3A_447 = tpu.vector_load %arg9[%get3A_445, %get3A_446] {strides = array<i32>} : memref<512x32xf32, #tpu.memory_space<vmem>>, vector<16xf32>,
      %get3A_448 = arith.index_cast %add3A_444 : i32 to index
      %get3A_449 = arith.constant 16 : index
      %get3A_450 = tpu.vector_load %arg9[%get3A_448, %get3A_449] {strides = array<i32>} : memref<512x32xf32, #tpu.memory_space<vmem>>, vector<16xf32>,
      %get3A_451 = arith.index_cast %add3A_444 : i32 to index
      %get3A_452 = arith.constant 0 : index
      %get3A_453 = tpu.vector_load %arg10[%get3A_451, %get3A_452] {strides = array<i32>} : memref<512x32xf32, #tpu.memory_space<vmem>>, vector<16xf32>,
      %get3A_454 = arith.index_cast %add3A_444 : i32 to index
      %get3A_455 = arith.constant 16 : index
      %get3A_456 = tpu.vector_load %arg10[%get3A_454, %get3A_455] {strides = array<i32>} : memref<512x32xf32, #tpu.memory_space<vmem>>, vector<16xf32>,
      %mul3A_457 = arith.mulf %get3A_447, %get3A_453 : vector<16xf32>
      %mul3A_458 = arith.mulf %get3A_450, %get3A_456 : vector<16xf32>
      %add3A_459 = arith.addf %mul3A_457, %mul3A_458 : vector<16xf32>
      %reduce_sum3A_460 = arith.constant true
      %reduce_sum3A_461 = vector.broadcast %reduce_sum3A_460 : i1 to vector<16xi1>
      %reduce_sum3A_462 = tpu.scan <sum>, %add3A_459 masked %reduce_sum3A_461 : vector<16xf32>, vector<16xi1> -> vector<16xf32>
      %reduce_sum3A_463 = vector.extract %reduce_sum3A_462[15] : f32 from vector<16xf32>
      %eq3A_464 = arith.constant 10 : i32
      %eq3A_465 = vector.broadcast %eq3A_464 : i32 to vector<16xi32>
      %eq3A_466 = arith.cmpi eq, %iota3A, %eq3A_465 : vector<16xi32>
      %jit3A_467 = arith.constant 0.000000e+00 : f32
      %broadcast_in_dim3A_468 = vector.broadcast %reduce_sum3A_463 : f32 to vector<16xf32>
      %broadcast_in_dim3A_469 = vector.broadcast %jit3A_467 : f32 to vector<16xf32>
      %select_n3A_470 = arith.select %eq3A_466, %broadcast_in_dim3A_468, %broadcast_in_dim3A_469 : vector<16xi1>, vector<16xf32>
      %add3A_471 = arith.addf %add3A_440, %select_n3A_470 : vector<16xf32>
      %mul3A_472 = arith.constant 16 : i32
      %mul3A_473 = arith.muli %scan3A_134, %mul3A_472 : i32
      %add3A_474 = arith.constant 11 : i32
      %add3A_475 = arith.addi %mul3A_473, %add3A_474 : i32
      %get3A_476 = arith.index_cast %add3A_475 : i32 to index
      %get3A_477 = arith.constant 0 : index
      %get3A_478 = tpu.vector_load %arg9[%get3A_476, %get3A_477] {strides = array<i32>} : memref<512x32xf32, #tpu.memory_space<vmem>>, vector<16xf32>,
      %get3A_479 = arith.index_cast %add3A_475 : i32 to index
      %get3A_480 = arith.constant 16 : index
      %get3A_481 = tpu.vector_load %arg9[%get3A_479, %get3A_480] {strides = array<i32>} : memref<512x32xf32, #tpu.memory_space<vmem>>, vector<16xf32>,
      %get3A_482 = arith.index_cast %add3A_475 : i32 to index
      %get3A_483 = arith.constant 0 : index
      %get3A_484 = tpu.vector_load %arg10[%get3A_482, %get3A_483] {strides = array<i32>} : memref<512x32xf32, #tpu.memory_space<vmem>>, vector<16xf32>,
      %get3A_485 = arith.index_cast %add3A_475 : i32 to index
      %get3A_486 = arith.constant 16 : index
      %get3A_487 = tpu.vector_load %arg10[%get3A_485, %get3A_486] {strides = array<i32>} : memref<512x32xf32, #tpu.memory_space<vmem>>, vector<16xf32>,
      %mul3A_488 = arith.mulf %get3A_478, %get3A_484 : vector<16xf32>
      %mul3A_489 = arith.mulf %get3A_481, %get3A_487 : vector<16xf32>
      %add3A_490 = arith.addf %mul3A_488, %mul3A_489 : vector<16xf32>
      %reduce_sum3A_491 = arith.constant true
      %reduce_sum3A_492 = vector.broadcast %reduce_sum3A_491 : i1 to vector<16xi1>
      %reduce_sum3A_493 = tpu.scan <sum>, %add3A_490 masked %reduce_sum3A_492 : vector<16xf32>, vector<16xi1> -> vector<16xf32>
      %reduce_sum3A_494 = vector.extract %reduce_sum3A_493[15] : f32 from vector<16xf32>
      %eq3A_495 = arith.constant 11 : i32
      %eq3A_496 = vector.broadcast %eq3A_495 : i32 to vector<16xi32>
      %eq3A_497 = arith.cmpi eq, %iota3A, %eq3A_496 : vector<16xi32>
      %jit3A_498 = arith.constant 0.000000e+00 : f32
      %broadcast_in_dim3A_499 = vector.broadcast %reduce_sum3A_494 : f32 to vector<16xf32>
      %broadcast_in_dim3A_500 = vector.broadcast %jit3A_498 : f32 to vector<16xf32>
      %select_n3A_501 = arith.select %eq3A_497, %broadcast_in_dim3A_499, %broadcast_in_dim3A_500 : vector<16xi1>, vector<16xf32>
      %add3A_502 = arith.addf %add3A_471, %select_n3A_501 : vector<16xf32>
      %mul3A_503 = arith.constant 16 : i32
      %mul3A_504 = arith.muli %scan3A_134, %mul3A_503 : i32
      %add3A_505 = arith.constant 12 : i32
      %add3A_506 = arith.addi %mul3A_504, %add3A_505 : i32
      %get3A_507 = arith.index_cast %add3A_506 : i32 to index
      %get3A_508 = arith.constant 0 : index
      %get3A_509 = tpu.vector_load %arg9[%get3A_507, %get3A_508] {strides = array<i32>} : memref<512x32xf32, #tpu.memory_space<vmem>>, vector<16xf32>,
      %get3A_510 = arith.index_cast %add3A_506 : i32 to index
      %get3A_511 = arith.constant 16 : index
      %get3A_512 = tpu.vector_load %arg9[%get3A_510, %get3A_511] {strides = array<i32>} : memref<512x32xf32, #tpu.memory_space<vmem>>, vector<16xf32>,
      %get3A_513 = arith.index_cast %add3A_506 : i32 to index
      %get3A_514 = arith.constant 0 : index
      %get3A_515 = tpu.vector_load %arg10[%get3A_513, %get3A_514] {strides = array<i32>} : memref<512x32xf32, #tpu.memory_space<vmem>>, vector<16xf32>,
      %get3A_516 = arith.index_cast %add3A_506 : i32 to index
      %get3A_517 = arith.constant 16 : index
      %get3A_518 = tpu.vector_load %arg10[%get3A_516, %get3A_517] {strides = array<i32>} : memref<512x32xf32, #tpu.memory_space<vmem>>, vector<16xf32>,
      %mul3A_519 = arith.mulf %get3A_509, %get3A_515 : vector<16xf32>
      %mul3A_520 = arith.mulf %get3A_512, %get3A_518 : vector<16xf32>
      %add3A_521 = arith.addf %mul3A_519, %mul3A_520 : vector<16xf32>
      %reduce_sum3A_522 = arith.constant true
      %reduce_sum3A_523 = vector.broadcast %reduce_sum3A_522 : i1 to vector<16xi1>
      %reduce_sum3A_524 = tpu.scan <sum>, %add3A_521 masked %reduce_sum3A_523 : vector<16xf32>, vector<16xi1> -> vector<16xf32>
      %reduce_sum3A_525 = vector.extract %reduce_sum3A_524[15] : f32 from vector<16xf32>
      %eq3A_526 = arith.constant 12 : i32
      %eq3A_527 = vector.broadcast %eq3A_526 : i32 to vector<16xi32>
      %eq3A_528 = arith.cmpi eq, %iota3A, %eq3A_527 : vector<16xi32>
      %jit3A_529 = arith.constant 0.000000e+00 : f32
      %broadcast_in_dim3A_530 = vector.broadcast %reduce_sum3A_525 : f32 to vector<16xf32>
      %broadcast_in_dim3A_531 = vector.broadcast %jit3A_529 : f32 to vector<16xf32>
      %select_n3A_532 = arith.select %eq3A_528, %broadcast_in_dim3A_530, %broadcast_in_dim3A_531 : vector<16xi1>, vector<16xf32>
      %add3A_533 = arith.addf %add3A_502, %select_n3A_532 : vector<16xf32>
      %mul3A_534 = arith.constant 16 : i32
      %mul3A_535 = arith.muli %scan3A_134, %mul3A_534 : i32
      %add3A_536 = arith.constant 13 : i32
      %add3A_537 = arith.addi %mul3A_535, %add3A_536 : i32
      %get3A_538 = arith.index_cast %add3A_537 : i32 to index
      %get3A_539 = arith.constant 0 : index
      %get3A_540 = tpu.vector_load %arg9[%get3A_538, %get3A_539] {strides = array<i32>} : memref<512x32xf32, #tpu.memory_space<vmem>>, vector<16xf32>,
      %get3A_541 = arith.index_cast %add3A_537 : i32 to index
      %get3A_542 = arith.constant 16 : index
      %get3A_543 = tpu.vector_load %arg9[%get3A_541, %get3A_542] {strides = array<i32>} : memref<512x32xf32, #tpu.memory_space<vmem>>, vector<16xf32>,
      %get3A_544 = arith.index_cast %add3A_537 : i32 to index
      %get3A_545 = arith.constant 0 : index
      %get3A_546 = tpu.vector_load %arg10[%get3A_544, %get3A_545] {strides = array<i32>} : memref<512x32xf32, #tpu.memory_space<vmem>>, vector<16xf32>,
      %get3A_547 = arith.index_cast %add3A_537 : i32 to index
      %get3A_548 = arith.constant 16 : index
      %get3A_549 = tpu.vector_load %arg10[%get3A_547, %get3A_548] {strides = array<i32>} : memref<512x32xf32, #tpu.memory_space<vmem>>, vector<16xf32>,
      %mul3A_550 = arith.mulf %get3A_540, %get3A_546 : vector<16xf32>
      %mul3A_551 = arith.mulf %get3A_543, %get3A_549 : vector<16xf32>
      %add3A_552 = arith.addf %mul3A_550, %mul3A_551 : vector<16xf32>
      %reduce_sum3A_553 = arith.constant true
      %reduce_sum3A_554 = vector.broadcast %reduce_sum3A_553 : i1 to vector<16xi1>
      %reduce_sum3A_555 = tpu.scan <sum>, %add3A_552 masked %reduce_sum3A_554 : vector<16xf32>, vector<16xi1> -> vector<16xf32>
      %reduce_sum3A_556 = vector.extract %reduce_sum3A_555[15] : f32 from vector<16xf32>
      %eq3A_557 = arith.constant 13 : i32
      %eq3A_558 = vector.broadcast %eq3A_557 : i32 to vector<16xi32>
      %eq3A_559 = arith.cmpi eq, %iota3A, %eq3A_558 : vector<16xi32>
      %jit3A_560 = arith.constant 0.000000e+00 : f32
      %broadcast_in_dim3A_561 = vector.broadcast %reduce_sum3A_556 : f32 to vector<16xf32>
      %broadcast_in_dim3A_562 = vector.broadcast %jit3A_560 : f32 to vector<16xf32>
      %select_n3A_563 = arith.select %eq3A_559, %broadcast_in_dim3A_561, %broadcast_in_dim3A_562 : vector<16xi1>, vector<16xf32>
      %add3A_564 = arith.addf %add3A_533, %select_n3A_563 : vector<16xf32>
      %mul3A_565 = arith.constant 16 : i32
      %mul3A_566 = arith.muli %scan3A_134, %mul3A_565 : i32
      %add3A_567 = arith.constant 14 : i32
      %add3A_568 = arith.addi %mul3A_566, %add3A_567 : i32
      %get3A_569 = arith.index_cast %add3A_568 : i32 to index
      %get3A_570 = arith.constant 0 : index
      %get3A_571 = tpu.vector_load %arg9[%get3A_569, %get3A_570] {strides = array<i32>} : memref<512x32xf32, #tpu.memory_space<vmem>>, vector<16xf32>,
      %get3A_572 = arith.index_cast %add3A_568 : i32 to index
      %get3A_573 = arith.constant 16 : index
      %get3A_574 = tpu.vector_load %arg9[%get3A_572, %get3A_573] {strides = array<i32>} : memref<512x32xf32, #tpu.memory_space<vmem>>, vector<16xf32>,
      %get3A_575 = arith.index_cast %add3A_568 : i32 to index
      %get3A_576 = arith.constant 0 : index
      %get3A_577 = tpu.vector_load %arg10[%get3A_575, %get3A_576] {strides = array<i32>} : memref<512x32xf32, #tpu.memory_space<vmem>>, vector<16xf32>,
      %get3A_578 = arith.index_cast %add3A_568 : i32 to index
      %get3A_579 = arith.constant 16 : index
      %get3A_580 = tpu.vector_load %arg10[%get3A_578, %get3A_579] {strides = array<i32>} : memref<512x32xf32, #tpu.memory_space<vmem>>, vector<16xf32>,
      %mul3A_581 = arith.mulf %get3A_571, %get3A_577 : vector<16xf32>
      %mul3A_582 = arith.mulf %get3A_574, %get3A_580 : vector<16xf32>
      %add3A_583 = arith.addf %mul3A_581, %mul3A_582 : vector<16xf32>
      %reduce_sum3A_584 = arith.constant true
      %reduce_sum3A_585 = vector.broadcast %reduce_sum3A_584 : i1 to vector<16xi1>
      %reduce_sum3A_586 = tpu.scan <sum>, %add3A_583 masked %reduce_sum3A_585 : vector<16xf32>, vector<16xi1> -> vector<16xf32>
      %reduce_sum3A_587 = vector.extract %reduce_sum3A_586[15] : f32 from vector<16xf32>
      %eq3A_588 = arith.constant 14 : i32
      %eq3A_589 = vector.broadcast %eq3A_588 : i32 to vector<16xi32>
      %eq3A_590 = arith.cmpi eq, %iota3A, %eq3A_589 : vector<16xi32>
      %jit3A_591 = arith.constant 0.000000e+00 : f32
      %broadcast_in_dim3A_592 = vector.broadcast %reduce_sum3A_587 : f32 to vector<16xf32>
      %broadcast_in_dim3A_593 = vector.broadcast %jit3A_591 : f32 to vector<16xf32>
      %select_n3A_594 = arith.select %eq3A_590, %broadcast_in_dim3A_592, %broadcast_in_dim3A_593 : vector<16xi1>, vector<16xf32>
      %add3A_595 = arith.addf %add3A_564, %select_n3A_594 : vector<16xf32>
      %mul3A_596 = arith.constant 16 : i32
      %mul3A_597 = arith.muli %scan3A_134, %mul3A_596 : i32
      %add3A_598 = arith.constant 15 : i32
      %add3A_599 = arith.addi %mul3A_597, %add3A_598 : i32
      %get3A_600 = arith.index_cast %add3A_599 : i32 to index
      %get3A_601 = arith.constant 0 : index
      %get3A_602 = tpu.vector_load %arg9[%get3A_600, %get3A_601] {strides = array<i32>} : memref<512x32xf32, #tpu.memory_space<vmem>>, vector<16xf32>,
      %get3A_603 = arith.index_cast %add3A_599 : i32 to index
      %get3A_604 = arith.constant 16 : index
      %get3A_605 = tpu.vector_load %arg9[%get3A_603, %get3A_604] {strides = array<i32>} : memref<512x32xf32, #tpu.memory_space<vmem>>, vector<16xf32>,
      %get3A_606 = arith.index_cast %add3A_599 : i32 to index
      %get3A_607 = arith.constant 0 : index
      %get3A_608 = tpu.vector_load %arg10[%get3A_606, %get3A_607] {strides = array<i32>} : memref<512x32xf32, #tpu.memory_space<vmem>>, vector<16xf32>,
      %get3A_609 = arith.index_cast %add3A_599 : i32 to index
      %get3A_610 = arith.constant 16 : index
      %get3A_611 = tpu.vector_load %arg10[%get3A_609, %get3A_610] {strides = array<i32>} : memref<512x32xf32, #tpu.memory_space<vmem>>, vector<16xf32>,
      %mul3A_612 = arith.mulf %get3A_602, %get3A_608 : vector<16xf32>
      %mul3A_613 = arith.mulf %get3A_605, %get3A_611 : vector<16xf32>
      %add3A_614 = arith.addf %mul3A_612, %mul3A_613 : vector<16xf32>
      %reduce_sum3A_615 = arith.constant true
      %reduce_sum3A_616 = vector.broadcast %reduce_sum3A_615 : i1 to vector<16xi1>
      %reduce_sum3A_617 = tpu.scan <sum>, %add3A_614 masked %reduce_sum3A_616 : vector<16xf32>, vector<16xi1> -> vector<16xf32>
      %reduce_sum3A_618 = vector.extract %reduce_sum3A_617[15] : f32 from vector<16xf32>
      %eq3A_619 = arith.constant 15 : i32
      %eq3A_620 = vector.broadcast %eq3A_619 : i32 to vector<16xi32>
      %eq3A_621 = arith.cmpi eq, %iota3A, %eq3A_620 : vector<16xi32>
      %jit3A_622 = arith.constant 0.000000e+00 : f32
      %broadcast_in_dim3A_623 = vector.broadcast %reduce_sum3A_618 : f32 to vector<16xf32>
      %broadcast_in_dim3A_624 = vector.broadcast %jit3A_622 : f32 to vector<16xf32>
      %select_n3A_625 = arith.select %eq3A_621, %broadcast_in_dim3A_623, %broadcast_in_dim3A_624 : vector<16xi1>, vector<16xf32>
      %add3A_626 = arith.addf %add3A_595, %select_n3A_625 : vector<16xf32>
      %mul3A_627 = arith.constant 16 : i32
      %mul3A_628 = arith.muli %scan3A_134, %mul3A_627 : i32
      %swap3A = arith.index_cast %mul3A_628 : i32 to index
      %swap3A_629 = tpu.vector_load %arg11[%swap3A] {strides = array<i32>} : memref<512xf32, #tpu.memory_space<vmem>>, vector<16xf32>,
      tpu.vector_store %arg11[%swap3A], %add3A_626 {strides = array<i32>} : memref<512xf32, #tpu.memory_space<vmem>>, vector<16xf32>,
    }
    %scan3A_133 = arith.constant 32 : i32
    "tpu.region"() ({
      %run_scoped3A = tpu.sem_alloc : memref<!tpu.dma_semaphore, #tpu.memory_space<semaphore_mem>>
      %dma_start3A_134 = tpu.memref_slice %arg6[%mul3A_2] : memref<16384xf32, #tpu.memory_space<hbm>> -> memref<512xf32, #tpu.memory_space<hbm>>
      %dma_start3A_135 = tpu.memref_slice %arg6[%mul3A_2] : memref<16384xf32, #tpu.memory_space<hbm>> -> memref<512xf32, #tpu.memory_space<hbm>>
      tpu.enqueue_dma source(%arg11 : memref<512xf32, #tpu.memory_space<vmem>>) target(%dma_start3A_135 : memref<512xf32, #tpu.memory_space<hbm>>) target_semaphore(%run_scoped3A : memref<!tpu.dma_semaphore, #tpu.memory_space<semaphore_mem>>)
      %dma_wait3A_136 = tpu.memref_slice %arg6[%mul3A_2] : memref<16384xf32, #tpu.memory_space<hbm>> -> memref<512xf32, #tpu.memory_space<hbm>>
      %dma_wait3A_137 = tpu.memref_slice %arg6[%mul3A_2] : memref<16384xf32, #tpu.memory_space<hbm>> -> memref<512xf32, #tpu.memory_space<hbm>>
      tpu.wait_dma2 semaphore(%run_scoped3A : memref<!tpu.dma_semaphore, #tpu.memory_space<semaphore_mem>>) src(%arg11 : memref<512xf32, #tpu.memory_space<vmem>>) dst(%dma_wait3A_137 : memref<512xf32, #tpu.memory_space<hbm>>)
      tpu.yield
    }) : () -> ()
    return
  }
}

</mosaic_0001>

<sc_bundles>
// kernel: kernel.3.cloned.1.call-start
scs
__scs_entry_jumppad:
0x0: {  	(pc) =	sbr.rel $0x88, $3  }
0x1: {  	(tag) =	ssettag $0x0;
	lr =	simm.s32 $0x1  }
0x2: {  	[smem:$0x3F9D] =	sst lr;
	_ =	strace $0xD0000000  }
0x3: {  	_ = 	snop  }
0x4: {  	_ = 	snop  }
0x5: {  	_ = 	snop  }
0x6: {  	_ = 	snop  }
0x7: {  	_ = 	snop  }
__scs_overlays_trampoline_lowered:
0x8: {  	[smem:$0x3FAC] =	sst s0  }
0x9: {  	[smem:$0x3FAD] =	sst s1  }
0xa: {  	[smem:$0x3FAE] =	sst s2  }
0xb: {  	[smem:$0x3FAF] =	sst s3  }
0xc: {  	[smem:$0x3FB0] =	sst s4  }
0xd: {  	[smem:$0x3FB1] =	sst s5  }
0xe: {  	[smem:$0x3FB2] =	sst s6  }
0xf: {  	[smem:$0x3FB3] =	sst s7  }
0x10: {  	[smem:$0x3FB4] =	sst s8  }
0x11: {  	[smem:$0x3FB5] =	sst s9;
	s0 =	simm.s32 @!p0 $0x0  }
0x12: {  	s1 =	sld [smem:$0x3F9B];
	s0 =	simm.s32 @p0 $0x1  }
0x13: {  	[smem:$0x3FB6] =	sst s0;
	s0 =	simm.s32 @!p1 $0x0  }
0x14: {  	s2 =	sld [smem:$0x3F9A];
	s0 =	simm.s32 @p1 $0x1  }
0x15: {  	[smem:$0x3FB7] =	sst s0;
	s0 =	simm.s32 @!p2 $0x0  }
0x16: {  	s3 =	sld [smem:$0x3FDB];
	s0 =	simm.s32 @p2 $0x1  }
0x17: {  	s4 =	simm.s32 $0x1BF5;
	[smem:$0x3FB9] =	sst s0  }
0x18: {  	s0 =	sld [smem:$0x3F9C];
	_ =	swait.ge [sflag:s4], $0x0  }
0x19: {  	s7 =	sld [smem:$0x3F9D]  }
0x1a: {  	s8 =	sadd.s32 $0xFFFFE003, lr  }
0x1b: {  	s9 =	sadd.s32 $0xFFFFFEF7, lr;
	s5 =	simm.s32 $0xFFFFFFFF;
	p2 =	slt.u32 s8, $0xFFFFF086  }
0x1c: {  	p1 =	slt.u32 s9, $0xF7A;
	s5 =	simm.s32 @!p2 $0x0  }
0x1d: {  	s5 =	simm.s32 @p1 $0x1;
	p0 =	seq.s32 s7, s2  }
0x1e: {  	s7 =	smul.u32 @!p0 $0xF7A, s2;
	p2 =	seq.s32 @!p0 s5, $0x0  }
0x1f: {  	s9 =	smul.u32 $0xF7A, s1;
	s8 =	simm.s32 @!p0 $0x1BF5;
	p2 =	por !p2, p0  }
0x20: {  	[sflag:s8] =	ssyncset.s32 @!p0 $0xFFFFF086;
	s6 =	sadd.s32 @!p0 s3, s7;
	s7 =	simm.s32 @!p0 $0x108  }
0x21: {  	s3 =	sadd.s32 s3, s9;
	s6 =	sadd.s32 @!p0 $0x88, s6;
	s7 =	simm.s32 @p2 $0x1082  }
0x22: {  	[simem:s7], [sflag:s8] =	dma.local @!p0 [hbm:s6], $0xF7A  }
0x23: {  	s9 =	sor.u32 $0xD0000000, s2;
	s6 =	simm.s32 $0x108;
	_ =	swait.ge @!p0 [sflag:s8], $0x0  }
0x24: {  	s3 =	sadd.s32 $0x88, s3;
	s6 =	simm.s32 @!p1 $0x1082;
	[sflag:s4] =	ssyncset.s32 $0xFFFFF086  }
0x25: {  	[simem:s6], [sflag:s4] =	dma.local [hbm:s3], $0xF7A  }
0x26: {  	[smem:$0x3F9D] =	sst s1;
	(tag) =	ssettag s2;
	_ =	strace s9  }
0x27: {  	s1 =	sld [smem:$0x3FAD]  }
0x28: {  	s2 =	sld [smem:$0x3FAE]  }
0x29: {  	s4 =	sld [smem:$0x3FB0]  }
0x2a: {  	p0 =	seq.s32 s5, $0x0;
	s5 =	sld [smem:$0x3FB1]  }
0x2b: {  	s6 =	sld [smem:$0x3FB2]  }
0x2c: {  	s7 =	sld [smem:$0x3FB3]  }
0x2d: {  	s3 =	simm.s32 $0x108;
	s8 =	sld [smem:$0x3FB4]  }
0x2e: {  	s3 =	simm.s32 @!p0 $0x1082;
	s9 =	sld [smem:$0x3FB5]  }
0x2f: {  	lr =	sadd.s32 s0, s3;
	s0 =	sld [smem:$0x3FAC]  }
0x30: {  	s3 =	sld [smem:$0x3FAF]  }
0x31: {  	[smem:$0x3FB8] =	sst s10  }
0x32: {  	s10 =	sld [smem:$0x3FB6];
	_ =	sdelay $0x3  }
0x33: {  	p0 =	seq.s32 s10, $0x1;
	s10 =	sld [smem:$0x3FB8];
	_ =	sdelay $0x3  }
0x34: {  	[smem:$0x3FB8] =	sst s10  }
0x35: {  	s10 =	sld [smem:$0x3FB7];
	_ =	sdelay $0x3  }
0x36: {  	p1 =	seq.s32 s10, $0x1;
	s10 =	sld [smem:$0x3FB8];
	_ =	sdelay $0x3  }
0x37: {  	[smem:$0x3FB8] =	sst s10  }
0x38: {  	s10 =	sld [smem:$0x3FB9]  }
0x39: {  	_ = 	snop;
	(pc) =	sbr.ind lr, $3  }
0x3a: {  	_ = 	snop  }
0x3b: {  	_ = 	snop  }
0x3c: {  	p2 =	seq.s32 s10, $0x1;
	s10 =	sld [smem:$0x3FB8]  }
0x3d: {  	_ =	shalt  }
0x3e: {  	_ =	shalt  }
0x3f: {  	_ =	shalt  }
0x40: {  	_ =	shalt  }
0x41: {  	_ =	shalt  }
0x42: {  	_ =	shalt  }
0x43: {  	_ =	shalt  }
0x44: {  	_ =	shalt  }
0x45: {  	_ =	shalt  }
0x46: {  	_ =	shalt  }
0x47: {  	_ =	shalt  }
0x48: {  	_ =	shalt  }
0x49: {  	_ =	shalt  }
0x4a: {  	_ =	shalt  }
0x4b: {  	_ =	shalt  }
0x4c: {  	_ =	shalt  }
0x4d: {  	_ =	shalt  }
0x4e: {  	_ =	shalt  }
0x4f: {  	_ =	shalt  }
0x50: {  	_ =	shalt  }
0x51: {  	_ =	shalt  }
0x52: {  	_ =	shalt  }
0x53: {  	_ =	shalt  }
0x54: {  	_ =	shalt  }
0x55: {  	_ =	shalt  }
0x56: {  	_ =	shalt  }
0x57: {  	_ =	shalt  }
0x58: {  	_ =	shalt  }
0x59: {  	_ =	shalt  }
0x5a: {  	_ =	shalt  }
0x5b: {  	_ =	shalt  }
0x5c: {  	_ =	shalt  }
0x5d: {  	_ =	shalt  }
0x5e: {  	_ =	shalt  }
0x5f: {  	_ =	shalt  }
0x60: {  	_ =	shalt  }
0x61: {  	_ =	shalt  }
0x62: {  	_ =	shalt  }
0x63: {  	_ =	shalt  }
0x64: {  	_ =	shalt  }
0x65: {  	_ =	shalt  }
0x66: {  	_ =	shalt  }
0x67: {  	_ =	shalt  }
0x68: {  	_ =	shalt  }
0x69: {  	_ =	shalt  }
0x6a: {  	_ =	shalt  }
0x6b: {  	_ =	shalt  }
0x6c: {  	_ =	shalt  }
0x6d: {  	_ =	shalt  }
0x6e: {  	_ =	shalt  }
0x6f: {  	_ =	shalt  }
0x70: {  	_ =	shalt  }
0x71: {  	_ =	shalt  }
0x72: {  	_ =	shalt  }
0x73: {  	_ =	shalt  }
0x74: {  	_ =	shalt  }
0x75: {  	_ =	shalt  }
0x76: {  	_ =	shalt  }
0x77: {  	_ =	shalt  }
0x78: {  	_ =	shalt  }
0x79: {  	_ =	shalt  }
0x7a: {  	_ =	shalt  }
0x7b: {  	_ =	shalt  }
0x7c: {  	_ =	shalt  }
0x7d: {  	_ =	shalt  }
0x7e: {  	_ =	shalt  }
0x7f: {  	_ =	shalt  }
0x80: {  	_ =	shalt  }
0x81: {  	_ =	shalt  }
0x82: {  	_ =	shalt  }
0x83: {  	_ =	shalt  }
0x84: {  	_ =	shalt  }
0x85: {  	_ =	shalt  }
0x86: {  	_ =	shalt  }
0x87: {  	_ =	shalt  }
.Lfunc_end0:
.L_simem_size_0:
called_computation_lowered:
.L_overlay_start_0:
0x88: {  	s2 =	sld [smem:$0x3FD9]  }
0x89: {  	s3 =	sld [smem:$0x3FFE];
	_ =	sdelay $0x1  }
0x8a: {  	s1 =	srdreg.scid  }
0x8b: {  	s0 =	sand.u32 $0x1, s1  }
0x8c: {  	s17 =	sshll.u32 s0, $0xA;
	s2 =	sadd.s32 s3, s2  }
0x8d: {  	s2 =	sadd.s32 s2, s17  }
0x8e: {  	[smem:$0x3FC4] =	sst s2  }
0x8f: {  	_ = 	snop  }
0x90: {  	s2 =	sld [smem:$0x3FC9]  }
0x91: {  	s18 =	sld [smem:$0x3FC8]  }
0x92: {  	s4 =	sld [smem:$0x3FD0];
	(tm) =	ssettm $0x1  }
0x93: {  	s5 =	sld [smem:$0x3FFB];
	_ =	sdelay $0x3  }
0x94: {  	_ =	strace s5  }
0x95: {  	s5 =	sld [smem:$0x3FFC];
	_ =	sdelay $0x3  }
0x96: {  	_ =	strace s5  }
0x97: {  	s5 =	sld [smem:$0x3FFD];
	_ =	sdelay $0x3  }
0x98: {  	_ =	strace s5  }
0x99: {  	_ =	strace $0x8FFFFFFF  }
0x9a: {  	s19 =	sld [smem:$0x3FDB];
	_ =	sdelay $0x1  }
0x9b: {  	s6 =	simm.s32 $_scs_section_size  }
0x9c: {  	s7 =	simm.s32 $_size__tile_overlayer_lowered;
	s8 =	simm.s32 $_tile_overlayer_lowered  }
0x9d: {  	s22 =	simm.s32 $0x1BFF;
	s21 =	sshll.u32 s8, $0x1;
	s5 =	sadd.s32 s6, s19  }
0x9e: {  	s9 =	simm.s32 $0x0;
	s20 =	sshll.u32 s7, $0x1;
	s7 =	sadd.s32 s21, s5  }
0x9f: {  	[timem:s9], [sflag:s22] =	dma.local [hbm:s7], s20  }
0xa0: {  	_ =	swait.ge [sflag:s22], s20  }
0xa1: {  	s6 =	ssub.s32 $0x0, s20;
	[sflag:s22] =	ssyncset.done $0x0  }
0xa2: {  	[sflag:s22] =	ssyncadd.s32 s6;
	_ =	sdelay $0x1  }
0xa3: {  	s23 =	simm.s32 $0x1B8B  }
0xa4: {  	_ =	swait.ge [sflag:s23], $0x1  }
0xa5: {  	[sflag:s23] =	ssyncset.done $0x0  }
0xa6: {  	s25 =	simm.s32 $0x1B8E;
	s24 =	sld [smem:$0x3FFE];
	[sflag:s23] =	ssyncadd.s32 $0xFFFFFFFF  }
0xa7: {  	s26 =	simm.s32 $execute0_lowered;
	[smem:$0x3FD2] =	sst s25  }
0xa8: {  	s7 =	sshll.u32 s26, $0x1;
	_ =	strace $0x80000046;
	[dreg:$0x1] =	wrdreg $0xFFFFFFFF  }
0xa9: {  	s28 =	simm.s32 $_size_execute0_lowered;
	s5 =	sadd.s32 s5, s7;
	[dreg:$0x0] =	wrdreg $0x0  }
0xaa: {  	s7 =	sshll.u32 s28, $0x1;
	[dreg:$0x2] =	wrdreg s5  }
0xab: {  	[dreg:$0x3] =	wrdreg s7  }
0xac: {  	[dreg:$0x4] =	wrdreg $0xC0  }
0xad: {  	_ =	task [dreg:s9], $0x5FFFF  }
0xae: {  	[dreg:$0x1] =	wrdreg $0xFFFFFFFF  }
0xaf: {  	[dreg:$0x0] =	wrdreg $0x60  }
0xb0: {  	[dreg:$0x2] =	wrdreg s2  }
0xb1: {  	[dreg:$0x3] =	wrdreg s18  }
0xb2: {  	[dreg:$0x4] =	wrdreg s24  }
0xb3: {  	[dreg:$0x5] =	wrdreg s4  }
0xb4: {  	[dreg:$0x6] =	wrdreg $0x9  }
0xb5: {  	_ =	task.clear_ibuf [dreg:s9], $0x7FFFF;
	_ =	strace $0x90000046  }
0xb6: {  	s29 =	simm.s32 $0x9;
	_ =	strace $0x80000048  }
0xb7: {  	_ =	swait.ge [sflag:s29], $0x1  }
0xb8: {  	[sflag:s29] =	ssyncadd.s32 $0xFFFFFFFF  }
0xb9: {  	_ =	strace $0x90000048  }
0xba: {  	_ =	sfence  }
0xbb: {  	s30 =	sld [smem:$0x0];
	_ =	sdelay $0x2  }
0xbc: {  	s31 =	sshll.u32 s1, $0xD;
	s1 =	sshrl.u32 s1, $0x2  }
0xbd: {  	s3 =	sand.u32 $0x4000, s31;
	s1 =	sadd.s32 s1, s30  }
0xbe: {  	s0 =	sor.u32 s3, s0;
	s1 =	sshll.u32 s1, $0x11  }
0xbf: {  	s0 =	sor.u32 s1, s0  }
0xc0: {  	s0 =	sadd.s32 $0x8F2B, s0  }
0xc1: {  	[sflag:s0] =	ssyncadd.remote.s32 $0x1  }
0xc2: {  	_ =	sfence.sel $0xFFFF  }
0xc3: {  	[dreg:$0x0] =	wrdreg $0xFFFFFFFF;
	(pc) =	sbr.abs _section_cstart, $3  }
0xc4: {  	[dreg:$0x1] =	wrdreg $0xFFFFFFFF  }
0xc5: {  	_ =	task.clear_ibuf [dreg:s9], $0x2FFFF;
	_ =	strace $0x9FFFFFFF  }
0xc6: {  	(tm) =	ssettm $0x7FFFFFFF  }
0xc7: {  	_ =	shalt  }
tec
execute0_lowered:
.L_overlay_start_1:
0x0: {  	(tag) =	ssettag $0x1  }
0x1: {  	s5 =	rddreg [dreg:$0x0]  }
0x2: {  	s6 =	rddreg [dreg:$0x1]  }
0x3: {  	s4 =	rddreg [dreg:$0x2]  }
0x4: {  	s7 =	rddreg [dreg:$0x3]  }
0x5: {  	s0 =	rddreg [dreg:$0x4];
	s1 =	simm.s32 $0x0  }
0x6: {  	s8 =	srdreg.scid;
	s2 =	stileid.u32;
	s12 =	simm.s32 $0x400  }
0x7: {  	s13 =	simm.s32 $0x4400;
	s14 =	simm.s32 $0x1400;
	s15 =	simm.s32 $0x280  }
0x8: {  	s16 =	simm.s32 $0x5400;
	s17 =	simm.s32 $0x100;
	s18 =	simm.s32 $0x2400  }
0x9: {  	s19 =	simm.s32 $0x300;
	s20 =	simm.s32 $0x6400;
	s21 =	simm.s32 $0x180  }
0xa: {  	s22 =	simm.s32 $0x3400;
	s23 =	simm.s32 $0x380;
	s24 =	simm.s32 $0x7400  }
0xb: {  	s25 =	simm.s32 $0x1;
	s26 =	simm.s32 $0x8400;
	s28 =	simm.s32 $0x0  }
0xc: {  	vm0 =	vmmov $0x1;
	[smem:$0x7FF] =	sst s1;
	s3 =	sadd.s32 $0xF42800, s4;
	s8 =	sand.u32 $0x1, s8  }
0xd: {  	vm1 =	vcmask $0x704;
	vm2 =	vcmask $0xB08;
	vm3 =	vcmask $0xF0C;
	s10 =	sshll.u32 s2, $0x7;
	s4 =	sadd.s32 $0x1313200, s4;
	s9 =	ssub.s32 $0x2, s8  }
0xe: {  	vm4 =	vcmask $0x1310;
	vm5 =	vcmask $0x1714;
	vm6 =	vcmask $0x1B18;
	_ =	strace $0x80000047;
	s8 =	sshll.u32 s8, $0x6;
	s11 =	sshrl.u32 s9, $0x1  }
0xf: {  	vm7 =	vcmask $0x1F1C;
	vm8 =	vcmask $0x2320;
	vm9 =	vcmask $0x2724;
	s8 =	sor.u32 s8, s10;
	s10 =	simm.s32 $0x200;
	s9 =	ssub.s32 s9, s11  }
0x10: {  	vm10 =	vcmask $0x2B28;
	vm11 =	vcmask $0x2F2C;
	vm12 =	vcmask $0x3330;
	s5 =	sadd.s32 s5, s8;
	s6 =	sadd.s32 s6, s8;
	s7 =	sadd.s32 s7, s8  }
0x11: {  	vm13 =	vcmask $0x3734;
	vm14 =	vcmask $0x3B38;
	vm15 =	vmmov $0x7fff;
	s11 =	simm.s32 $0x80;
	s8 =	smax.u32 s9, $0x1;
	s9 =	simm.s32 $0x2  }
.LBB2_1:
0x12: {  	[tilespmem:s1], [sflag:$0x2] =	stream.linear.gather [hbm4b:s5+s1], $0x200, $0x38;
	[tilespmem:$0x8600] =	vst v63  }
0x13: {  	_ =	swait.ge [sflag:s9], $0x200  }
0x14: {  	[sflag:s9] =	ssyncset.done $0x0  }
0x15: {  	[sflag:s9] =	ssyncadd.s32 $0xFFFFFE00  }
0x16: {  	[tilespmem:s10], [sflag:$0x2] =	stream.linear.gather [hbm4b:s6+s1], $0x200, $0x38;
	[tilespmem:$0x8600] =	vst v63  }
0x17: {  	_ =	swait.ge [sflag:s9], $0x200  }
0x18: {  	[sflag:s9] =	ssyncset.done $0x0  }
0x19: {  	[sflag:s9] =	ssyncadd.s32 $0xFFFFFE00  }
0x1a: {  	[tilespmem:s12], [sflag:$0x1] =	stream.indirect.gather [hbm4b:s3+s11], $0x20, s1, s11, $0xb8;
	[tilespmem:$0x8600] =	vst v63  }
0x1b: {  	_ = 	snop  }
0x1c: {  	[tilespmem:s13], [sflag:$0x1] =	stream.indirect.gather [hbm4b:s4+s11], $0x20, s10, s11, $0xb8;
	[tilespmem:$0x8600] =	vst v63  }
0x1d: {  	_ = 	snop  }
0x1e: {  	[tilespmem:s14], [sflag:$0x1] =	stream.indirect.gather [hbm4b:s3+s11], $0x20, s11, s11, $0xb8;
	[tilespmem:$0x8600] =	vst v63  }
0x1f: {  	_ = 	snop  }
0x20: {  	[tilespmem:s16], [sflag:$0x1] =	stream.indirect.gather [hbm4b:s4+s11], $0x20, s15, s11, $0xb8;
	[tilespmem:$0x8600] =	vst v63  }
0x21: {  	_ = 	snop  }
0x22: {  	[tilespmem:s18], [sflag:$0x1] =	stream.indirect.gather [hbm4b:s3+s11], $0x20, s17, s11, $0xb8;
	[tilespmem:$0x8600] =	vst v63  }
0x23: {  	_ = 	snop  }
0x24: {  	[tilespmem:s20], [sflag:$0x1] =	stream.indirect.gather [hbm4b:s4+s11], $0x20, s19, s11, $0xb8;
	[tilespmem:$0x8600] =	vst v63  }
0x25: {  	_ = 	snop  }
0x26: {  	[tilespmem:s22], [sflag:$0x1] =	stream.indirect.gather [hbm4b:s3+s11], $0x20, s21, s11, $0xb8;
	[tilespmem:$0x8600] =	vst v63  }
0x27: {  	_ = 	snop  }
0x28: {  	[tilespmem:s24], [sflag:$0x1] =	stream.indirect.gather [hbm4b:s4+s11], $0x20, s23, s11, $0xb8;
	[tilespmem:$0x8600] =	vst v63  }
0x29: {  	_ =	swait.ge [sflag:s25], $0x1000  }
0x2a: {  	[sflag:s25] =	ssyncset.done $0x0  }
0x2b: {  	[sflag:s25] =	ssyncadd.s32 $0xFFFFF000  }
0x2c: {  	_ =	swait.ge [sflag:s25], $0x1000  }
0x2d: {  	[sflag:s25] =	ssyncset.done $0x0  }
0x2e: {  	[sflag:s25] =	ssyncadd.s32 $0xFFFFF000  }
0x2f: {  	_ =	swait.ge [sflag:s25], $0x1000  }
0x30: {  	[sflag:s25] =	ssyncset.done $0x0  }
0x31: {  	[sflag:s25] =	ssyncadd.s32 $0xFFFFF000  }
0x32: {  	_ =	swait.ge [sflag:s25], $0x1000  }
0x33: {  	[sflag:s25] =	ssyncset.done $0x0  }
0x34: {  	[sflag:s25] =	ssyncadd.s32 $0xFFFFF000  }
0x35: {  	_ =	swait.ge [sflag:s25], $0x1000  }
0x36: {  	[sflag:s25] =	ssyncset.done $0x0  }
0x37: {  	[sflag:s25] =	ssyncadd.s32 $0xFFFFF000  }
0x38: {  	_ =	swait.ge [sflag:s25], $0x1000  }
0x39: {  	[sflag:s25] =	ssyncset.done $0x0  }
0x3a: {  	[sflag:s25] =	ssyncadd.s32 $0xFFFFF000  }
0x3b: {  	_ =	swait.ge [sflag:s25], $0x1000  }
0x3c: {  	[sflag:s25] =	ssyncset.done $0x0  }
0x3d: {  	[sflag:s25] =	ssyncadd.s32 $0xFFFFF000  }
0x3e: {  	_ =	swait.ge [sflag:s25], $0x1000  }
0x3f: {  	[sflag:s25] =	ssyncset.done $0x0  }
0x40: {  	s29 =	simm.s32 $0x0;
	[sflag:s25] =	ssyncadd.s32 $0xFFFFF000  }
0x41: {  	v0 =	vld [tilespmem:s29+$0x5A0]  }
0x42: {  	v1 =	vld [tilespmem:s29+$0x45A0]  }
0x43: {  	v2 =	vld [tilespmem:s29+$0x5B0]  }
0x44: {  	v3 =	vld [tilespmem:s29+$0x45B0]  }
0x45: {  	v4 =	vld [tilespmem:s29+$0x560]  }
0x46: {  	v5 =	vld [tilespmem:s29+$0x4560]  }
0x47: {  	v6 =	vld [tilespmem:s29+$0x570]  }
0x48: {  	v7 =	vld [tilespmem:s29+$0x4570]  }
0x49: {  	v8 =	vld [tilespmem:s29+$0x520]  }
0x4a: {  	v9 =	vld [tilespmem:s29+$0x4520]  }
0x4b: {  	v10 =	vld [tilespmem:s29+$0x530]  }
0x4c: {  	v11 =	vld [tilespmem:s29+$0x4530]  }
0x4d: {  	v12 =	vld [tilespmem:s29+$0x4E0]  }
0x4e: {  	v13 =	vld [tilespmem:s29+$0x44E0]  }
0x4f: {  	v14 =	vld [tilespmem:s29+$0x4F0]  }
0x50: {  	v15 =	vld [tilespmem:s29+$0x44F0]  }
0x51: {  	v16 =	vld [tilespmem:s29+$0x4A0]  }
0x52: {  	v17 =	vld [tilespmem:s29+$0x44A0]  }
0x53: {  	v18 =	vld [tilespmem:s29+$0x4B0]  }
0x54: {  	v19 =	vld [tilespmem:s29+$0x44B0]  }
0x55: {  	v20 =	vld [tilespmem:s29+$0x460]  }
0x56: {  	v21 =	vld [tilespmem:s29+$0x4460]  }
0x57: {  	v22 =	vld [tilespmem:s29+$0x470]  }
0x58: {  	v23 =	vld [tilespmem:s29+$0x4470]  }
0x59: {  	v24 =	vld [tilespmem:s29+$0x420]  }
0x5a: {  	v25 =	vld [tilespmem:s29+$0x4420]  }
0x5b: {  	v26 =	vld [tilespmem:s29+$0x430]  }
0x5c: {  	v27 =	vld [tilespmem:s29+$0x4430]  }
0x5d: {  	v28 =	vld [tilespmem:s29+$0x4400]  }
0x5e: {  	v40 =	vld [tilespmem:s29+$0x4450];
	v0 =	vmul.f32 v1, v0;
	v1 =	vmul.f32 v3, v2  }
0x5f: {  	v3 =	vmul.f32 v5, v4;
	v4 =	vmul.f32 v7, v6;
	v5 =	vld [tilespmem:s29+$0x410]  }
0x60: {  	v6 =	vmul.f32 v11, v10;
	v7 =	vld [tilespmem:s29+$0x4410];
	v0 =	vadd.f32 v1, v0;
	v1 =	vmul.f32 v9, v8  }
0x61: {  	v2 =	vld [tilespmem:s29+$0x400];
	v3 =	vadd.f32 v4, v3;
	v4 =	vmul.f32 v13, v12;
	v8 =	vmul.f32 v15, v14  }
0x62: {  	v10 =	vld [tilespmem:s29+$0x4440];
	(xrf2) =	vadd.scan.msk.f32 $0xffff, v0;
	v0 =	vadd.f32 v6, v1;
	v1 =	vmul.f32 v17, v16;
	v6 =	vmul.f32 v19, v18  }
0x63: {  	v11 =	vld [tilespmem:s29+$0x450];
	(xrf2) =	vadd.scan.msk.f32 $0xffff, v3;
	v3 =	vadd.f32 v8, v4;
	v4 =	vmul.f32 v21, v20;
	v8 =	vmul.f32 v23, v22  }
0x64: {  	v9 =	vld [tilespmem:s29+$0x440];
	(xrf2) =	vadd.scan.msk.f32 $0xffff, v0;
	v0 =	vadd.f32 v6, v1;
	v1 =	vmul.f32 v25, v24;
	v6 =	vmul.f32 v27, v26  }
0x65: {  	(xrf2) =	vadd.scan.msk.f32 $0xffff, v3;
	v3 =	vadd.f32 v8, v4;
	v4 =	vmul.f32 v7, v5;
	v5 =	vld [tilespmem:s29+$0x480]  }
0x66: {  	v2 =	vmul.f32 v28, v2;
	(xrf2) =	vadd.scan.msk.f32 $0xffff, v0;
	v0 =	vadd.f32 v6, v1;
	v1 =	vld [tilespmem:s29+$0x4480]  }
0x67: {  	(xrf2) =	vadd.scan.msk.f32 $0xffff, v3;
	v3 =	vld [tilespmem:s29+$0x490]  }
0x68: {  	v2 =	vadd.f32 v4, v2;
	(xrf2) =	vadd.scan.msk.f32 $0xffff, v0;
	v0 =	vld [tilespmem:s29+$0x4490]  }
0x69: {  	v7 =	vld [tilespmem:s29+$0x4C0];
	v6 =	vmul.f32 v40, v11;
	v4 =	vmul.f32 v10, v9  }
0x6a: {  	v9 =	vld [tilespmem:s29+$0x44D0];
	(xrf2) =	vadd.scan.msk.f32 $0xffff, v2  }
0x6b: {  	v2 =	vld [tilespmem:s29+$0x44C0];
	v4 =	vadd.f32 v6, v4  }
0x6c: {  	v6 =	vld [tilespmem:s29+$0x4D0]  }
0x6d: {  	v1 =	vmul.f32 v1, v5;
	v8, _, _ =	vpop (xrf2);
	v0 =	vmul.f32 v0, v3  }
0x6e: {  	v42 =	vld [tilespmem:s29+$0x4510];
	v10, _, _ =	vpop (xrf2);
	(xrf2) =	vadd.scan.msk.f32 $0xffff, v4  }
0x6f: {  	v45 =	vld [tilespmem:s29+$0x4550];
	v4, _, _ =	vpop (xrf2);
	v0 =	vadd.f32 v0, v1  }
0x70: {  	v5 =	vld [tilespmem:s29+$0x4500];
	v11, _, _ =	vpop (xrf2)  }
0x71: {  	v3 =	vld [tilespmem:s29+$0x500];
	v2 =	vmul.f32 v2, v7;
	v6 =	vmul.f32 v9, v6;
	v41, _, _ =	vpop (xrf2)  }
0x72: {  	v1 =	vld [tilespmem:s29+$0x510];
	v43, _, _ =	vpop (xrf2);
	(xrf2) =	vadd.scan.msk.f32 $0xffff, v0  }
0x73: {  	v2 =	vadd.f32 v6, v2;
	v6 =	vld [tilespmem:s29+$0x550];
	v0, _, _ =	vpop (xrf2)  }
0x74: {  	v7 =	vld [tilespmem:s29+$0x540];
	v44, _, _ =	vpop (xrf2)  }
0x75: {  	v9 =	vld [tilespmem:s29+$0x4540];
	v15 =	vbroadcast v44, $0xF  }
0x76: {  	v46 =	vld [tilespmem:s29+$0x4580];
	v3 =	vmul.f32 v5, v3  }
0x77: {  	v48 =	vld [tilespmem:s29+$0x4590];
	(xrf2) =	vadd.scan.msk.f32 $0xffff, v2;
	v1 =	vmul.f32 v42, v1;
	v0 =	vbroadcast v0, $0xF;
	v2 =	vnsel vm0, $0x0, v15  }
0x78: {  	v5 =	vld [tilespmem:s29+$0x580];
	v6 =	vmul.f32 v45, v6;
	v47, _, _ =	vpop (xrf2);
	v2 =	vadd.f32 $0.0e+00, v2  }
0x79: {  	v1 =	vadd.f32 v1, v3;
	v3 =	vld [tilespmem:s29+$0x590];
	v0 =	vnsel vm1, $0x0, v0;
	v15 =	vbroadcast v47, $0xF  }
0x7a: {  	v0 =	vadd.f32 v0, v2;
	v2 =	vmul.f32 v9, v7  }
0x7b: {  	v50 =	vld [tilespmem:s29+$0x45D0];
	(xrf2) =	vadd.scan.msk.f32 $0xffff, v1;
	v1 =	vnsel vm2, $0x0, v15;
	v9 =	vbroadcast v43, $0xF  }
0x7c: {  	v0 =	vadd.f32 v1, v0;
	v1 =	vadd.f32 v6, v2;
	v2 =	vld [tilespmem:s29+$0x5D0];
	v6, _, _ =	vpop (xrf2)  }
0x7d: {  	v49 =	vld [tilespmem:s29+$0x45C0];
	v5 =	vmul.f32 v46, v5;
	v9 =	vnsel vm3, $0x0, v9;
	v6 =	vbroadcast v6, $0xF  }
0x7e: {  	v7 =	vld [tilespmem:s29+$0x5C0];
	v3 =	vmul.f32 v48, v3;
	v0 =	vadd.f32 v9, v0  }
0x7f: {  	v52 =	vld [tilespmem:s29+$0x45F0];
	(xrf2) =	vadd.scan.msk.f32 $0xffff, v1;
	v1 =	vnsel vm4, $0x0, v6  }
0x80: {  	v6 =	vbroadcast v41, $0xF;
	v0 =	vadd.f32 v1, v0;
	v1 =	vadd.f32 v3, v5;
	v3 =	vld [tilespmem:s29+$0x5F0]  }
0x81: {  	v51 =	vld [tilespmem:s29+$0x45E0];
	v5, _, _ =	vpop (xrf2);
	v2 =	vmul.f32 v50, v2  }
0x82: {  	v9 =	vld [tilespmem:s29+$0x5E0];
	v6 =	vnsel vm5, $0x0, v6;
	v5 =	vbroadcast v5, $0xF  }
0x83: {  	v0 =	vadd.f32 v6, v0;
	v6 =	vmul.f32 v49, v7  }
0x84: {  	(xrf2) =	vadd.scan.msk.f32 $0xffff, v1;
	v1 =	vnsel vm6, $0x0, v5;
	v5 =	vbroadcast v11, $0xF  }
0x85: {  	v0 =	vadd.f32 v1, v0;
	v1 =	vadd.f32 v2, v6;
	v2, _, _ =	vpop (xrf2);
	v3 =	vmul.f32 v52, v3  }
0x86: {  	v5 =	vnsel vm7, $0x0, v5;
	v2 =	vbroadcast v2, $0xF  }
0x87: {  	v0 =	vadd.f32 v5, v0;
	v5 =	vmul.f32 v51, v9  }
0x88: {  	(xrf2) =	vadd.scan.msk.f32 $0xffff, v1;
	v1 =	vnsel vm8, $0x0, v2  }
0x89: {  	v0 =	vadd.f32 v1, v0;
	v1 =	vadd.f32 v3, v5;
	v3, _, _ =	vpop (xrf2)  }
0x8a: {  	v2 =	vbroadcast v4, $0xF;
	v3 =	vbroadcast v3, $0xF;
	_ =	sdelay $0x1  }
0x8b: {  	v2 =	vnsel vm9, $0x0, v2;
	(xrf2) =	vadd.scan.msk.f32 $0xffff, v1;
	v1 =	vnsel vm10, $0x0, v3  }
0x8c: {  	v0 =	vadd.f32 v2, v0;
	_ =	sdelay $0x1  }
0x8d: {  	v0 =	vadd.f32 v1, v0;
	v1, _, _ =	vpop (xrf2)  }
0x8e: {  	v2 =	vbroadcast v10, $0xF;
	v1 =	vbroadcast v1, $0xF;
	_ =	sdelay $0x1  }
0x8f: {  	v2 =	vnsel vm11, $0x0, v2;
	v1 =	vnsel vm12, $0x0, v1  }
0x90: {  	v0 =	vadd.f32 v2, v0;
	_ =	sdelay $0x1  }
0x91: {  	v0 =	vadd.f32 v1, v0;
	v1, _, _ =	vpop (xrf2)  }
0x92: {  	v2 =	vbroadcast v8, $0xF;
	v1 =	vbroadcast v1, $0xF;
	_ =	sdelay $0x1  }
0x93: {  	v2 =	vnsel vm13, $0x0, v2;
	v1 =	vnsel vm14, $0x0, v1  }
0x94: {  	v0 =	vadd.f32 v2, v0;
	_ =	sdelay $0x1  }
0x95: {  	v0 =	vadd.f32 v1, v0;
	v1, _, _ =	vpop (xrf2)  }
0x96: {  	v1 =	vsel vm15, $0x0, v1  }
0x97: {  	v0 =	vadd.f32 v1, v0;
	_ =	sdelay $0x1  }
0x98: {  	s30 =	simm.s32 $0x200;
	[tilespmem:s26+$0x0] =	vst v0  }
0x99: {  	v0 =	vld [tilespmem:s30+$0x5A0]  }
0x9a: {  	v1 =	vld [tilespmem:s30+$0x45A0]  }
0x9b: {  	v2 =	vld [tilespmem:s30+$0x5B0]  }
0x9c: {  	v3 =	vld [tilespmem:s30+$0x45B0]  }
0x9d: {  	v4 =	vld [tilespmem:s30+$0x560]  }
0x9e: {  	v5 =	vld [tilespmem:s30+$0x4560]  }
0x9f: {  	v6 =	vld [tilespmem:s30+$0x570]  }
0xa0: {  	v7 =	vld [tilespmem:s30+$0x4570]  }
0xa1: {  	v8 =	vld [tilespmem:s30+$0x520]  }
0xa2: {  	v9 =	vld [tilespmem:s30+$0x4520]  }
0xa3: {  	v10 =	vld [tilespmem:s30+$0x530]  }
0xa4: {  	v11 =	vld [tilespmem:s30+$0x4530]  }
0xa5: {  	v53 =	vld [tilespmem:s30+$0x4E0]  }
0xa6: {  	v54 =	vld [tilespmem:s30+$0x44E0]  }
0xa7: {  	v55 =	vld [tilespmem:s30+$0x4F0];
	v0 =	vmul.f32 v1, v0;
	v1 =	vmul.f32 v3, v2  }
0xa8: {  	v56 =	vld [tilespmem:s30+$0x44F0]  }
0xa9: {  	v57 =	vld [tilespmem:s30+$0x4A0];
	v0 =	vadd.f32 v1, v0  }
0xaa: {  	v58 =	vld [tilespmem:s30+$0x44A0]  }
0xab: {  	v59 =	vld [tilespmem:s30+$0x44B0];
	(xrf2) =	vadd.scan.msk.f32 $0xffff, v0;
	v0 =	vmul.f32 v5, v4;
	v4 =	vmul.f32 v7, v6  }
0xac: {  	v60 =	vld [tilespmem:s30+$0x460]  }
0xad: {  	v61 =	vld [tilespmem:s30+$0x4460];
	v0 =	vadd.f32 v4, v0  }
0xae: {  	v62 =	vld [tilespmem:s30+$0x470];
	v5 =	vmul.f32 v9, v8;
	v6 =	vmul.f32 v11, v10  }
0xaf: {  	v1 =	vld [tilespmem:s30+$0x4B0];
	(xrf2) =	vadd.scan.msk.f32 $0xffff, v0  }
0xb0: {  	v63 =	vld [tilespmem:s30+$0x4470];
	v9 =	vadd.f32 v6, v5  }
0xb1: {  	v2 =	vld [tilespmem:s30+$0x420];
	v7 =	vmul.f32 v54, v53;
	v8 =	vmul.f32 v56, v55  }
0xb2: {  	v3 =	vld [tilespmem:s30+$0x4420];
	(xrf2) =	vadd.scan.msk.f32 $0xffff, v9  }
0xb3: {  	v4 =	vld [tilespmem:s30+$0x430];
	v0 =	vadd.f32 v8, v7  }
0xb4: {  	v6 =	vld [tilespmem:s30+$0x4430];
	v1 =	vmul.f32 v59, v1;
	v8 =	vmul.f32 v58, v57  }
0xb5: {  	v5 =	vld [tilespmem:s30+$0x4400];
	(xrf2) =	vadd.scan.msk.f32 $0xffff, v0  }
0xb6: {  	v7 =	vld [tilespmem:s30+$0x400];
	v1 =	vadd.f32 v1, v8  }
0xb7: {  	s31 =	simm.s32 $0x1000;
	s29 =	simm.s32 $0x8400;
	v10 =	vmul.f32 v63, v62;
	v9 =	vmul.f32 v61, v60;
	v8 =	vld [tilespmem:s30+$0x410];
	v0, _, _ =	vpop (xrf2)  }
.LBB2_2:
0xb8: {  	p0 =	sne.s32 s31, $0xF800;
	v11 =	vld [tilespmem:s30+$0x4410];
	(xrf2) =	vadd.scan.msk.f32 $0xffff, v1  }
0xb9: {  	v12 =	vld [tilespmem:s30+$0x440];
	v9 =	vadd.f32 v10, v9;
	v1, _, _ =	vpop (xrf2)  }
0xba: {  	v10 =	vmul.f32 v3, v2;
	v3 =	vmul.f32 v6, v4;
	v4 =	vld [tilespmem:s30+$0x4440]  }
0xbb: {  	v6 =	vld [tilespmem:s30+$0x450];
	(xrf2) =	vadd.scan.msk.f32 $0xffff, v9  }
0xbc: {  	v3 =	vadd.f32 v3, v10;
	v9 =	vld [tilespmem:s30+$0x4450];
	v2, _, _ =	vpop (xrf2)  }
0xbd: {  	v5 =	vmul.f32 v5, v7;
	v11 =	vmul.f32 v11, v8;
	v8 =	vld [tilespmem:s30+$0x480]  }
0xbe: {  	v10 =	vld [tilespmem:s30+$0x4480];
	(xrf2) =	vadd.scan.msk.f32 $0xffff, v3  }
0xbf: {  	v3 =	vadd.f32 v11, v5;
	v5 =	vld [tilespmem:s30+$0x490];
	v7, _, _ =	vpop (xrf2)  }
0xc0: {  	v11 =	vld [tilespmem:s30+$0x4490]  }
0xc1: {  	v4 =	vmul.f32 v4, v12;
	v6 =	vmul.f32 v9, v6;
	v9 =	vld [tilespmem:s30+$0x4C0];
	(xrf2) =	vadd.scan.msk.f32 $0xffff, v3  }
0xc2: {  	v3 =	vld [tilespmem:s30+$0x44C0];
	v12, _, _ =	vpop (xrf2)  }
0xc3: {  	v14 =	vadd.f32 v6, v4;
	v6 =	vld [tilespmem:s30+$0x4D0]  }
0xc4: {  	v13 =	vld [tilespmem:s30+$0x44D0]  }
0xc5: {  	v8 =	vmul.f32 v10, v8;
	v5 =	vmul.f32 v11, v5;
	v10 =	vld [tilespmem:s30+$0x500];
	(xrf2) =	vadd.scan.msk.f32 $0xffff, v14;
	v4, _, _ =	vpop (xrf2)  }
0xc6: {  	v11 =	vld [tilespmem:s30+$0x4500]  }
0xc7: {  	v5 =	vadd.f32 v5, v8;
	v8 =	vld [tilespmem:s30+$0x510]  }
0xc8: {  	v14 =	vld [tilespmem:s30+$0x4510];
	v15, _, _ =	vpop (xrf2)  }
0xc9: {  	v3 =	vmul.f32 v3, v9;
	v6 =	vmul.f32 v13, v6;
	v9 =	vld [tilespmem:s30+$0x540];
	(xrf2) =	vadd.scan.msk.f32 $0xffff, v5  }
0xca: {  	v5 =	vld [tilespmem:s30+$0x4540]  }
0xcb: {  	v3 =	vadd.f32 v6, v3;
	v6 =	vld [tilespmem:s30+$0x550];
	v13, _, _ =	vpop (xrf2)  }
0xcc: {  	v13 =	vbroadcast v13, $0xF;
	v16 =	vld [tilespmem:s30+$0x4550]  }
0xcd: {  	v10 =	vmul.f32 v11, v10;
	v8 =	vmul.f32 v14, v8;
	v11 =	vld [tilespmem:s30+$0x580];
	(xrf2) =	vadd.scan.msk.f32 $0xffff, v3  }
0xce: {  	v3 =	vnsel vm0, $0x0, v13;
	v13 =	vbroadcast v15, $0xF;
	v14 =	vld [tilespmem:s30+$0x4580]  }
0xcf: {  	v3 =	vadd.f32 $0.0e+00, v3;
	v8 =	vadd.f32 v8, v10;
	v10 =	vld [tilespmem:s30+$0x590];
	v15, _, _ =	vpop (xrf2)  }
0xd0: {  	v13 =	vnsel vm1, $0x0, v13;
	v15 =	vbroadcast v15, $0xF;
	v17 =	vld [tilespmem:s30+$0x4590]  }
0xd1: {  	v5 =	vmul.f32 v5, v9;
	v3 =	vadd.f32 v13, v3;
	v6 =	vmul.f32 v16, v6;
	v9 =	vld [tilespmem:s30+$0x5C0];
	(xrf2) =	vadd.scan.msk.f32 $0xffff, v8  }
0xd2: {  	v4 =	vbroadcast v4, $0xF;
	v15 =	vnsel vm2, $0x0, v15;
	v13 =	vld [tilespmem:s30+$0x45C0]  }
0xd3: {  	v3 =	vadd.f32 v15, v3;
	v5 =	vadd.f32 v6, v5;
	v6 =	vld [tilespmem:s30+$0x5D0];
	v8, _, _ =	vpop (xrf2)  }
0xd4: {  	v4 =	vnsel vm3, $0x0, v4;
	v8 =	vbroadcast v8, $0xF;
	v15 =	vld [tilespmem:s30+$0x45D0]  }
0xd5: {  	v3 =	vadd.f32 v4, v3;
	v4 =	vmul.f32 v14, v11;
	v14 =	vmul.f32 v17, v10;
	v11 =	vld [tilespmem:s30+$0x5E0];
	(xrf2) =	vadd.scan.msk.f32 $0xffff, v5  }
0xd6: {  	v5 =	vnsel vm4, $0x0, v8;
	v8 =	vbroadcast v12, $0xF;
	v12 =	vld [tilespmem:s30+$0x45E0]  }
0xd7: {  	v3 =	vadd.f32 v5, v3;
	v4 =	vadd.f32 v14, v4;
	v5 =	vld [tilespmem:s30+$0x5F0];
	v10, _, _ =	vpop (xrf2)  }
0xd8: {  	v8 =	vnsel vm5, $0x0, v8;
	v10 =	vbroadcast v10, $0xF;
	v14 =	vld [tilespmem:s30+$0x45F0]  }
0xd9: {  	v3 =	vadd.f32 v8, v3;
	v8 =	vmul.f32 v13, v9;
	v9 =	vmul.f32 v15, v6;
	(xrf2) =	vadd.scan.msk.f32 $0xffff, v4  }
0xda: {  	v7 =	vbroadcast v7, $0xF;
	v4 =	vnsel vm6, $0x0, v10  }
0xdb: {  	v3 =	vadd.f32 v4, v3;
	v4 =	vadd.f32 v9, v8;
	v6, _, _ =	vpop (xrf2)  }
0xdc: {  	v7 =	vnsel vm7, $0x0, v7;
	v6 =	vbroadcast v6, $0xF  }
0xdd: {  	v3 =	vadd.f32 v7, v3;
	v7 =	vmul.f32 v12, v11;
	v8 =	vmul.f32 v14, v5;
	(xrf2) =	vadd.scan.msk.f32 $0xffff, v4  }
0xde: {  	v2 =	vbroadcast v2, $0xF;
	v4 =	vnsel vm8, $0x0, v6  }
0xdf: {  	v3 =	vadd.f32 v4, v3;
	v4 =	vadd.f32 v8, v7;
	v5, _, _ =	vpop (xrf2)  }
0xe0: {  	v2 =	vnsel vm9, $0x0, v2;
	v5 =	vbroadcast v5, $0xF  }
0xe1: {  	v2 =	vadd.f32 v2, v3;
	(xrf2) =	vadd.scan.msk.f32 $0xffff, v4  }
0xe2: {  	v1 =	vbroadcast v1, $0xF;
	v4 =	vnsel vm10, $0x0, v5  }
0xe3: {  	v2 =	vadd.f32 v4, v2;
	v3, _, _ =	vpop (xrf2)  }
0xe4: {  	v1 =	vnsel vm11, $0x0, v1;
	v3 =	vbroadcast v3, $0xF  }
0xe5: {  	v1 =	vadd.f32 v1, v2  }
0xe6: {  	v0 =	vbroadcast v0, $0xF;
	v3 =	vnsel vm12, $0x0, v3  }
0xe7: {  	v1 =	vadd.f32 v3, v1;
	v2, _, _ =	vpop (xrf2)  }
0xe8: {  	v0 =	vnsel vm13, $0x0, v0;
	v2 =	vbroadcast v2, $0xF  }
0xe9: {  	v0 =	vadd.f32 v0, v1  }
0xea: {  	v2 =	vnsel vm14, $0x0, v2  }
0xeb: {  	v0 =	vadd.f32 v2, v0;
	v1, _, _ =	vpop (xrf2)  }
0xec: {  	v1 =	vsel vm15, $0x0, v1  }
0xed: {  	v0 =	vadd.f32 v1, v0  }
0xee: {  	s29 =	sadd.s32 $0x10, s29  }
0xef: {  	s30 =	sshra.s32 s31, $0x2;
	[tilespmem:s29+$0x0] =	vst v0  }
0xf0: {  	v0 =	vld [tilespmem:s30+$0x5A0]  }
0xf1: {  	v1 =	vld [tilespmem:s30+$0x45A0]  }
0xf2: {  	v2 =	vld [tilespmem:s30+$0x5B0]  }
0xf3: {  	v3 =	vld [tilespmem:s30+$0x45B0]  }
0xf4: {  	v4 =	vld [tilespmem:s30+$0x560]  }
0xf5: {  	v5 =	vld [tilespmem:s30+$0x4560]  }
0xf6: {  	v6 =	vld [tilespmem:s30+$0x570]  }
0xf7: {  	v7 =	vld [tilespmem:s30+$0x4570]  }
0xf8: {  	v8 =	vld [tilespmem:s30+$0x520]  }
0xf9: {  	v9 =	vld [tilespmem:s30+$0x4520]  }
0xfa: {  	v10 =	vld [tilespmem:s30+$0x530]  }
0xfb: {  	v11 =	vld [tilespmem:s30+$0x4530]  }
0xfc: {  	v12 =	vld [tilespmem:s30+$0x4E0]  }
0xfd: {  	v13 =	vld [tilespmem:s30+$0x44E0]  }
0xfe: {  	v14 =	vld [tilespmem:s30+$0x4F0]  }
0xff: {  	v0 =	vmul.f32 v1, v0;
	v1 =	vmul.f32 v3, v2;
	v15 =	vld [tilespmem:s30+$0x44F0]  }
0x100: {  	v16 =	vld [tilespmem:s30+$0x4A0]  }
0x101: {  	v0 =	vadd.f32 v1, v0;
	v17 =	vld [tilespmem:s30+$0x44A0]  }
0x102: {  	v2 =	vmul.f32 v5, v4;
	v3 =	vmul.f32 v7, v6;
	v1 =	vld [tilespmem:s30+$0x4B0]  }
0x103: {  	v5 =	vld [tilespmem:s30+$0x44B0];
	(xrf2) =	vadd.scan.msk.f32 $0xffff, v0  }
0x104: {  	v0 =	vadd.f32 v3, v2;
	v18 =	vld [tilespmem:s30+$0x460]  }
0x105: {  	v2 =	vmul.f32 v9, v8;
	v3 =	vmul.f32 v11, v10;
	v19 =	vld [tilespmem:s30+$0x4460]  }
0x106: {  	v10 =	vld [tilespmem:s30+$0x470];
	(xrf2) =	vadd.scan.msk.f32 $0xffff, v0  }
0x107: {  	v0 =	vadd.f32 v3, v2;
	v11 =	vld [tilespmem:s30+$0x4470]  }
0x108: {  	v6 =	vmul.f32 v13, v12;
	v7 =	vmul.f32 v15, v14;
	v2 =	vld [tilespmem:s30+$0x420]  }
0x109: {  	v3 =	vld [tilespmem:s30+$0x4420];
	(xrf2) =	vadd.scan.msk.f32 $0xffff, v0  }
.Ltmp0:
0x10a: {  	v9 =	vadd.f32 v7, v6;
	v4 =	vld [tilespmem:s30+$0x430];
	(pc) =	sbr.rel @p0 .LBB2_2-.Ltmp0, $4  }
0x10b: {  	v8 =	vmul.f32 v17, v16;
	v1 =	vmul.f32 v5, v1;
	v6 =	vld [tilespmem:s30+$0x4430]  }
0x10c: {  	v5 =	vld [tilespmem:s30+$0x4400];
	(xrf2) =	vadd.scan.msk.f32 $0xffff, v9  }
0x10d: {  	v1 =	vadd.f32 v1, v8;
	v7 =	vld [tilespmem:s30+$0x400];
	v0, _, _ =	vpop (xrf2)  }
0x10e: {  	s31 =	sadd.s32 $0x800, s31;
	v9 =	vmul.f32 v19, v18;
	v10 =	vmul.f32 v11, v10;
	v8 =	vld [tilespmem:s30+$0x410]  }
0x10f: {  	v11 =	vld [tilespmem:s30+$0x4410]  }
0x110: {  	v12 =	vld [tilespmem:s30+$0x440]  }
0x111: {  	v13 =	vld [tilespmem:s30+$0x4440]  }
0x112: {  	v14 =	vld [tilespmem:s30+$0x450]  }
0x113: {  	v2 =	vmul.f32 v3, v2;
	v43 =	vld [tilespmem:s30+$0x4450];
	v42 =	vmul.f32 v6, v4  }
0x114: {  	v46 =	vld [tilespmem:s30+$0x480];
	v44 =	vadd.f32 v10, v9;
	v5 =	vmul.f32 v5, v7;
	v45 =	vmul.f32 v11, v8  }
0x115: {  	(xrf2) =	vadd.scan.msk.f32 $0xffff, v1;
	v48 =	vld [tilespmem:s30+$0x4480];
	v47 =	vadd.f32 v42, v2  }
0x116: {  	v50 =	vld [tilespmem:s30+$0x490];
	(xrf2) =	vadd.scan.msk.f32 $0xffff, v44;
	v49 =	vadd.f32 v45, v5  }
0x117: {  	v51 =	vld [tilespmem:s30+$0x4490];
	(xrf2) =	vadd.scan.msk.f32 $0xffff, v47  }
0x118: {  	v53 =	vld [tilespmem:s30+$0x4C0];
	v52 =	vmul.f32 v13, v12;
	v4 =	vmul.f32 v43, v14;
	(xrf2) =	vadd.scan.msk.f32 $0xffff, v49  }
0x119: {  	v54 =	vld [tilespmem:s30+$0x44C0]  }
0x11a: {  	v55 =	vld [tilespmem:s30+$0x4D0];
	v4 =	vadd.f32 v4, v52  }
0x11b: {  	v56 =	vld [tilespmem:s30+$0x44D0]  }
0x11c: {  	v57 =	vld [tilespmem:s30+$0x500];
	v10, _, _ =	vpop (xrf2);
	v2 =	vmul.f32 v48, v46;
	v1 =	vmul.f32 v51, v50;
	(xrf2) =	vadd.scan.msk.f32 $0xffff, v4  }
0x11d: {  	v59 =	vld [tilespmem:s30+$0x4500];
	v58, _, _ =	vpop (xrf2)  }
0x11e: {  	v61 =	vld [tilespmem:s30+$0x510];
	v60, _, _ =	vpop (xrf2);
	v1 =	vadd.f32 v1, v2  }
0x11f: {  	v63 =	vld [tilespmem:s30+$0x4510];
	v62, _, _ =	vpop (xrf2)  }
0x120: {  	v21 =	vld [tilespmem:s30+$0x540];
	v3 =	vmul.f32 v54, v53;
	v6 =	vmul.f32 v56, v55;
	(xrf2) =	vadd.scan.msk.f32 $0xffff, v1;
	v20, _, _ =	vpop (xrf2)  }
0x121: {  	v23 =	vld [tilespmem:s30+$0x4540];
	v22, _, _ =	vpop (xrf2)  }
0x122: {  	v24 =	vld [tilespmem:s30+$0x550];
	v3 =	vadd.f32 v6, v3;
	v15, _, _ =	vpop (xrf2)  }
0x123: {  	v16 =	vld [tilespmem:s30+$0x4550];
	v15 =	vbroadcast v15, $0xF  }
0x124: {  	v25 =	vld [tilespmem:s30+$0x580];
	v5 =	vmul.f32 v59, v57;
	v2 =	vmul.f32 v63, v61;
	(xrf2) =	vadd.scan.msk.f32 $0xffff, v3  }
0x125: {  	v27 =	vld [tilespmem:s30+$0x4580];
	v1 =	vbroadcast v22, $0xF;
	v26 =	vnsel vm0, $0x0, v15  }
0x126: {  	v28 =	vld [tilespmem:s30+$0x590];
	v2 =	vadd.f32 v2, v5;
	v29, _, _ =	vpop (xrf2);
	v3 =	vadd.f32 $0.0e+00, v26  }
0x127: {  	v17 =	vld [tilespmem:s30+$0x4590];
	v1 =	vnsel vm1, $0x0, v1;
	v15 =	vbroadcast v29, $0xF  }
0x128: {  	v31 =	vld [tilespmem:s30+$0x5C0];
	v30 =	vmul.f32 v23, v21;
	v6 =	vmul.f32 v16, v24;
	(xrf2) =	vadd.scan.msk.f32 $0xffff, v2;
	v1 =	vadd.f32 v1, v3  }
0x129: {  	v34 =	vld [tilespmem:s30+$0x45C0];
	v33 =	vbroadcast v20, $0xF;
	v32 =	vnsel vm2, $0x0, v15  }
0x12a: {  	v36 =	vld [tilespmem:s30+$0x5D0];
	v35 =	vadd.f32 v6, v30;
	v37, _, _ =	vpop (xrf2);
	v1 =	vadd.f32 v32, v1  }
0x12b: {  	v38 =	vld [tilespmem:s30+$0x45D0];
	v9 =	vnsel vm3, $0x0, v33;
	v6 =	vbroadcast v37, $0xF  }
0x12c: {  	v39 =	vld [tilespmem:s30+$0x5E0];
	v8 =	vmul.f32 v27, v25;
	v5 =	vmul.f32 v17, v28;
	(xrf2) =	vadd.scan.msk.f32 $0xffff, v35;
	v1 =	vadd.f32 v9, v1  }
0x12d: {  	v42 =	vld [tilespmem:s30+$0x45E0];
	v41 =	vbroadcast v62, $0xF;
	v40 =	vnsel vm4, $0x0, v6  }
0x12e: {  	v44 =	vld [tilespmem:s30+$0x5F0];
	v43 =	vadd.f32 v5, v8;
	v45, _, _ =	vpop (xrf2);
	v1 =	vadd.f32 v40, v1  }
0x12f: {  	v46 =	vld [tilespmem:s30+$0x45F0];
	v8 =	vbroadcast v45, $0xF;
	v6 =	vnsel vm5, $0x0, v41  }
0x130: {  	v47 =	vmul.f32 v34, v31;
	(xrf2) =	vadd.scan.msk.f32 $0xffff, v43;
	v3 =	vmul.f32 v38, v36;
	v1 =	vadd.f32 v6, v1  }
0x131: {  	v49 =	vbroadcast v60, $0xF;
	v48 =	vnsel vm6, $0x0, v8  }
0x132: {  	v50 =	vadd.f32 v3, v47;
	v51, _, _ =	vpop (xrf2);
	v1 =	vadd.f32 v48, v1  }
0x133: {  	v52 =	vnsel vm7, $0x0, v49;
	v3 =	vbroadcast v51, $0xF  }
0x134: {  	v53 =	vmul.f32 v42, v39;
	v5 =	vmul.f32 v46, v44;
	(xrf2) =	vadd.scan.msk.f32 $0xffff, v50;
	v1 =	vadd.f32 v52, v1  }
0x135: {  	v55 =	vbroadcast v58, $0xF;
	v54 =	vnsel vm8, $0x0, v3  }
0x136: {  	v56 =	vadd.f32 v5, v53;
	v57, _, _ =	vpop (xrf2);
	v1 =	vadd.f32 v54, v1  }
0x137: {  	v4 =	vbroadcast v57, $0xF;
	v3 =	vnsel vm9, $0x0, v55  }
0x138: {  	(xrf2) =	vadd.scan.msk.f32 $0xffff, v56;
	v1 =	vadd.f32 v3, v1  }
0x139: {  	v59 =	vbroadcast v10, $0xF;
	v58 =	vnsel vm10, $0x0, v4  }
0x13a: {  	v60, _, _ =	vpop (xrf2);
	v1 =	vadd.f32 v58, v1  }
0x13b: {  	v2 =	vbroadcast v60, $0xF;
	v3 =	vnsel vm11, $0x0, v59  }
0x13c: {  	v1 =	vadd.f32 v3, v1  }
0x13d: {  	v0 =	vbroadcast v0, $0xF;
	v2 =	vnsel vm12, $0x0, v2  }
0x13e: {  	v61, _, _ =	vpop (xrf2);
	v1 =	vadd.f32 v2, v1  }
0x13f: {  	v0 =	vnsel vm13, $0x0, v0;
	v2 =	vbroadcast v61, $0xF  }
0x140: {  	v0 =	vadd.f32 v0, v1  }
0x141: {  	v62 =	vnsel vm14, $0x0, v2  }
0x142: {  	v63, _, _ =	vpop (xrf2);
	v0 =	vadd.f32 v62, v0  }
0x143: {  	v1 =	vsel vm15, $0x0, v63  }
0x144: {  	s28 =	sadd.s32 $0x1, s28;
	v0 =	vadd.f32 v1, v0  }
0x145: {  	s29 =	sadd.s32 $0x10, s29;
	p0 =	sne.s32 s28, s8  }
.Ltmp1:
0x146: {  	[tilespmem:s29+$0x0] =	vst v0;
	(pc) =	sbr.rel @p0 .LBB2_1-.Ltmp1, $4  }
0x147: {  	[hbm4b:s7+s1] =	stream.linear.scatter [tilespmem:s26], [sflag:$0x2], $0x200, $0x38;
	[tilespmem:$0x8600] =	vst v63  }
0x148: {  	_ =	swait.ge [sflag:s9], $0x200  }
0x149: {  	[sflag:s9] =	ssyncset.done $0x0  }
0x14a: {  	[sflag:s9] =	ssyncadd.s32 $0xFFFFFE00  }
0x14b: {  	_ =	sfence.sel $0x180000  }
0x14c: {  	[bflag:$0x0] =	sbarrier.arrive $0xFFFF  }
0x14d: {  	p0 =	sne.s32 s2, $0x0;
	_ =	strace $0x90000047  }
0x14e: {  	s0 =	sadd.s32 @!p0 $0x100000, s0;
	[bflag:$0x2] =	sbarrier.arrive $0xFFFF  }
0x14f: {  	[sflag:s0] =	ssyncadd.tile.s32 @!p0 $0x1;
	_ =	shalt  }
.Lfunc_end2:
_tile_overlayer_lowered:
.L_overlay_start_2:
0x150: {  	(tag) =	ssettag $0x2  }
0x151: {  	s0 =	rddreg [dreg:$0x0];
	s2 =	stileid.u32  }
0x152: {  	s1 =	rddreg [dreg:$0x1];
	p0 =	sne.s32 s2, $0x0  }
0x153: {  	s3 =	rddreg [dreg:$0x2];
	[bflag:$0x3] =	sbarrier.arrive $0xFFFF;
	s2 =	simm.s32 @!p0 $0x1C02  }
0x154: {  	[timem:s3], [sflag:s2] =	dma.local @!p0 [hbm:s0], s1  }
0x155: {  	s0 =	simm.s32 @!p0 $0x2  }
0x156: {  	_ =	swait.ge @!p0 [sflag:s0], s1  }
0x157: {  	s1 =	ssub.s32 @!p0 $0x0, s1;
	[sflag:s0] =	ssyncset.done @!p0 $0x0  }
0x158: {  	[sflag:s0] =	ssyncadd.s32 @!p0 s1  }
0x159: {  	[bflag:$0x3] =	sbarrier.arrive $0xFFFF  }
0x15a: {  	_ =	shalt  }

</sc_bundles>
